<compile_context>
chip_gen: v7x
topology: tpu7x:2x2x1
jax: 0.10.2.dev20260603
libtpu: 0.0.44.dev20260713+nightly
codegen_flags: <defaults>
</compile_context>

<pallas_src>
import jax
import jax.numpy as jnp
from jax import lax
from jax.experimental import pallas as pl
from jax.experimental.pallas import tpu as pltpu
from jax.experimental.pallas import tpu_sc as plsc

N_NODES = 10000
N_EDGES = 320000
CH = 128

NC = 2
NS = 16
NW = NC * NS

CHUNK = 128
NCH = 80
BCH = 40
NCH0 = 120
NCH1 = 40
E_PAD = NW * NCH * CHUNK
NPAD = 10240
DUMMY = 10016
ROWS_PER_TILE = NPAD // NS

_mesh = plsc.VectorSubcoreMesh(core_axis_name="c", subcore_axis_name="s",
                               num_cores=NC, num_subcores=NS)


def _deg_body(dst_hbm, ones_hbm, zeros_hbm, out_hbm, dst_v, ones_v, hist_sh):
    c = lax.axis_index("c")
    s = lax.axis_index("s")
    wid = c * NS + s
    pltpu.sync_copy(dst_hbm.at[pl.ds(wid * NCH, NCH)], dst_v)
    pltpu.sync_copy(ones_hbm, ones_v)
    pltpu.sync_copy(zeros_hbm, hist_sh.at[pl.ds(s * ROWS_PER_TILE, ROWS_PER_TILE)])
    plsc.subcore_barrier()

    @pl.loop(0, NCH)
    def _chunks(j):
        pltpu.sync_copy(ones_v, hist_sh.at[dst_v.at[j]], add=True)

    plsc.subcore_barrier()
    pltpu.sync_copy(hist_sh.at[pl.ds(s * ROWS_PER_TILE, ROWS_PER_TILE)],
                    out_hbm.at[c, pl.ds(s * ROWS_PER_TILE, ROWS_PER_TILE)])


_deg_kernel = pl.kernel(
    _deg_body,
    mesh=_mesh,
    out_type=jax.ShapeDtypeStruct((NC, NPAD), jnp.float32),
    scratch_types=[
        pltpu.VMEM((NCH, CHUNK), jnp.int32),
        pltpu.VMEM((CHUNK,), jnp.float32),
        pltpu.VMEM_SHARED((NPAD,), jnp.float32),
    ],
)


def _scatter_body_inner(hp_hbm, src_hbm, dst_hbm, zeros_hbm, out_hbm,
                        src_v, dst_v, rows, acc_sh, sems):
    c = lax.axis_index("c")
    s = lax.axis_index("s")
    wid = c * NS + s
    pltpu.sync_copy(zeros_hbm, acc_sh.at[pl.ds(s * ROWS_PER_TILE, ROWS_PER_TILE)])
    plsc.subcore_barrier()

    nbuf = len(rows)
    nblk = lax.select(c == 0, NCH0 // BCH, NCH1 // BCH)
    tile_base = lax.select(c == 0, s * NCH0, NS * NCH0 + s * NCH1)

    @pl.loop(0, nblk)
    def _blocks(blk):
        base = tile_base + blk * BCH
        pltpu.sync_copy(src_hbm.at[pl.ds(base, BCH)], src_v)
        pltpu.sync_copy(dst_hbm.at[pl.ds(base, BCH)], dst_v)
        for t in range(nbuf):
            pltpu.async_copy(hp_hbm.at[src_v.at[t]], rows[t], sems[t])

        @pl.loop(0, BCH, step=nbuf)
        def _chunks(j):
            for t in range(nbuf):
                jj = j + t
                pltpu.make_async_copy(hp_hbm.at[src_v.at[jj]], rows[t], sems[t]).wait()
                pltpu.sync_copy(rows[t], acc_sh.at[dst_v.at[jj]], add=True)

                @pl.when(jj + nbuf < BCH)
                def _prefetch():
                    pltpu.async_copy(hp_hbm.at[src_v.at[jj + nbuf]], rows[t], sems[t])

    plsc.subcore_barrier()
    pltpu.sync_copy(acc_sh.at[pl.ds(s * ROWS_PER_TILE, ROWS_PER_TILE)],
                    out_hbm.at[c, pl.ds(s * ROWS_PER_TILE, ROWS_PER_TILE)])


def _scatter_body_wrap(hp_hbm, src_hbm, dst_hbm, zeros_hbm, out_hbm,
                       src_v, dst_v, r0, r1, acc_sh, s0, s1):
    return _scatter_body_inner(hp_hbm, src_hbm, dst_hbm, zeros_hbm, out_hbm,
                               src_v, dst_v, (r0, r1), acc_sh, (s0, s1))


_scatter_kernel = pl.kernel(
    _scatter_body_wrap,
    mesh=_mesh,
    out_type=jax.ShapeDtypeStruct((NC, NPAD, CH), jnp.float32),
    scratch_types=[
        pltpu.VMEM((BCH, CHUNK), jnp.int32),
        pltpu.VMEM((BCH, CHUNK), jnp.int32),
        pltpu.VMEM((CHUNK, CH), jnp.float32),
        pltpu.VMEM((CHUNK, CH), jnp.float32),
        pltpu.VMEM_SHARED((NPAD, CH), jnp.float32),
        pltpu.SemaphoreType.DMA,
        pltpu.SemaphoreType.DMA,
    ],
)


def _linear_body(x_ref, w_ref, deg_ref, out_ref):
    deg = deg_ref[0, :] + deg_ref[1, :] + 1.0
    dis = lax.rsqrt(deg)
    h = jnp.dot(x_ref[...], w_ref[...], preferred_element_type=jnp.float32)
    out_ref[...] = h * dis[:, None]


def _linear(x_pad, W, deg2):
    blk = 1024
    grid = NPAD // blk
    return pl.pallas_call(
        _linear_body,
        grid=(grid,),
        in_specs=[
            pl.BlockSpec((blk, CH), lambda i: (i, 0)),
            pl.BlockSpec((CH, CH), lambda i: (0, 0)),
            pl.BlockSpec((NC, blk), lambda i: (0, i)),
        ],
        out_specs=pl.BlockSpec((blk, CH), lambda i: (i, 0)),
        out_shape=jax.ShapeDtypeStruct((NPAD, CH), jnp.float32),
    )(x_pad, W, deg2)


def _combine_body(p_ref, hp_ref, deg_ref, b_ref, pw_ref, out_ref):
    sblk = p_ref[0] + p_ref[1] + hp_ref[...]
    deg = deg_ref[0, :] + deg_ref[1, :] + 1.0
    dis = lax.rsqrt(deg)
    y = sblk * dis[:, None] + b_ref[...][None, :]
    out_ref[...] = jnp.where(y >= 0, y, pw_ref[...][None, :] * y)


def _combine(parts, hp, deg2, b, prelu_w):
    blk = 1024
    grid = NPAD // blk
    return pl.pallas_call(
        _combine_body,
        grid=(grid,),
        in_specs=[
            pl.BlockSpec((NC, blk, CH), lambda i: (0, i, 0)),
            pl.BlockSpec((blk, CH), lambda i: (i, 0)),
            pl.BlockSpec((NC, blk), lambda i: (0, i)),
            pl.BlockSpec((CH,), lambda i: (0,)),
            pl.BlockSpec((CH,), lambda i: (0,)),
        ],
        out_specs=pl.BlockSpec((blk, CH), lambda i: (i, 0)),
        out_shape=jax.ShapeDtypeStruct((NPAD, CH), jnp.float32),
    )(parts, hp, deg2, b, prelu_w)


def kernel(x, edge_index, W, b, prelu_w):
    src = edge_index[0].astype(jnp.int32)
    dst = edge_index[1].astype(jnp.int32)
    npad_e = E_PAD - N_EDGES
    src_p = jnp.concatenate([src, jnp.zeros((npad_e,), jnp.int32)])
    dst_p = jnp.concatenate([dst, jnp.full((npad_e,), DUMMY, jnp.int32)])
    src2 = src_p.reshape(NW * NCH, CHUNK)
    dst2 = dst_p.reshape(NW * NCH, CHUNK)

    ones_rows = jnp.ones((CHUNK,), jnp.float32)
    zeros_deg = jnp.zeros((ROWS_PER_TILE,), jnp.float32)
    zeros_acc = jnp.zeros((ROWS_PER_TILE, CH), jnp.float32)
    x_pad = jnp.concatenate([x, jnp.zeros((NPAD - N_NODES, CH), jnp.float32)])

    deg2 = _deg_kernel(dst2, ones_rows, zeros_deg)
    hp = _linear(x_pad, W, deg2)
    parts = _scatter_kernel(hp, src2, dst2, zeros_acc)
    out = _combine(parts, hp, deg2, b, prelu_w)
    return out[:N_NODES]

# --- scband reference (transcript-rebuilt; emitter-appended) ---
"""Pipeline reference for scband-encoder-16604343566763 (READ-ONLY COPY).

The authoritative reference and input builder live on the scoring server;
editing this copy changes nothing except your own understanding.
"""

import jax, jax.numpy as jnp
import numpy as np

N_NODES = 10000
N_EDGES = 320000
IN_CH = 128
HID_CH = 128


def setup_inputs(seed: int = 0) -> dict:
    key = jax.random.key(seed)
    k_x, k_ei, k_w, k_b = jax.random.split(key, 4)
    x = jax.random.normal(k_x, (N_NODES, IN_CH), dtype=jnp.float32)
    edge_index = jax.random.randint(k_ei, (2, N_EDGES), 0, N_NODES, dtype=jnp.int64)
    # GCNConv linear weight (glorot) and bias
    limit = float(np.sqrt(6.0 / (IN_CH + HID_CH)))
    W = jax.random.uniform(k_w, (IN_CH, HID_CH), dtype=jnp.float32, minval=-limit, maxval=limit)
    b = jnp.zeros((HID_CH,), dtype=jnp.float32)
    # PReLU per-channel weight, torch default init 0.25
    prelu_w = jnp.full((HID_CH,), 0.25, dtype=jnp.float32)
    return {"x": x, "edge_index": edge_index, "W": W, "b": b, "prelu_w": prelu_w}


def gcn_conv(x, edge_index, W, b):
    N = x.shape[0]
    # add self-loops (PyG GCNConv default)
    loop = jnp.arange(N, dtype=edge_index.dtype)
    src = jnp.concatenate([edge_index[0], loop])
    dst = jnp.concatenate([edge_index[1], loop])
    # linear transform
    h = x @ W
    # symmetric normalization: deg computed over dst with unit edge weights
    deg = jax.ops.segment_sum(jnp.ones_like(dst, dtype=h.dtype), dst, num_segments=N)
    deg_inv_sqrt = jnp.where(deg > 0, deg ** -0.5, 0.0)
    norm = deg_inv_sqrt[src] * deg_inv_sqrt[dst]
    # gather, scale, scatter-add to destination nodes
    msgs = h[src] * norm[:, None]
    out = jax.ops.segment_sum(msgs, dst, num_segments=N)
    return out + b


def reference(x, edge_index, W, b, prelu_w):
    x1 = gcn_conv(x, edge_index, W, b)
    # PReLU with per-channel weight
    x1 = jnp.where(x1 >= 0, x1, prelu_w * x1)
    return x1

if __name__ == "__main__":
    import jax
    _d = setup_inputs()
    print(jax.jit(kernel)(*tuple(_d.values())))

</pallas_src>

<mosaic_0001>
#map = affine_map<(d0, d1) -> (0, 0)>
#map1 = affine_map<(d0, d1) -> (0, 0, 0)>
module attributes {stable_mosaic.version = 14 : i64} {
  func.func @_scatter_body_wrap(%arg0: i32, %arg1: i32, %arg2: memref<10240x128xf32, #tpu.memory_space<hbm>>, %arg3: memref<2560x128xi32, #tpu.memory_space<hbm>>, %arg4: memref<2560x128xi32, #tpu.memory_space<hbm>>, %arg5: memref<640x128xf32, #tpu.memory_space<hbm>>, %arg6: memref<2x10240x128xf32, #tpu.memory_space<hbm>>, %arg7: memref<40x128xi32, #tpu.memory_space<vmem>>, %arg8: memref<40x128xi32, #tpu.memory_space<vmem>>, %arg9: memref<128x128xf32, #tpu.memory_space<vmem>>, %arg10: memref<128x128xf32, #tpu.memory_space<vmem>>, %arg11: memref<10240x128xf32, #tpu.memory_space<vmem_shared>>, %arg12: memref<!tpu.dma_semaphore, #tpu.memory_space<semaphore_mem>>, %arg13: memref<!tpu.dma_semaphore, #tpu.memory_space<semaphore_mem>>) attributes {dimension_semantics = [#tpu.dimension_semantics<core_parallel>, #tpu.dimension_semantics<subcore_parallel>], iteration_bounds = array<i64: 2, 16>, scalar_prefetch = 0 : i64, scratch_operands = 7 : i64, tpu.core_type = #tpu.core_type<sc_vector_subcore>, window_params = [{transform_indices = #map}, {transform_indices = #map}, {transform_indices = #map}, {transform_indices = #map}, {transform_indices = #map1}]} {
    %mul3A = arith.constant 16 : i32
    %mul3A_0 = arith.muli %arg0, %mul3A : i32
    %add3A = arith.addi %mul3A_0, %arg1 : i32
    %mul3A_1 = arith.constant 640 : i32
    %mul3A_2 = arith.muli %arg1, %mul3A_1 : i32
    "tpu.region"() ({
      %run_scoped3A = tpu.sem_alloc : memref<!tpu.dma_semaphore, #tpu.memory_space<semaphore_mem>>
      %dma_start3A = arith.constant 0 : i32
      %dma_start3A_36 = tpu.memref_slice %arg11[%mul3A_2, %dma_start3A] : memref<10240x128xf32, #tpu.memory_space<vmem_shared>> -> memref<640x128xf32, #tpu.memory_space<vmem_shared>>
      tpu.enqueue_dma source(%arg5 : memref<640x128xf32, #tpu.memory_space<hbm>>) target(%dma_start3A_36 : memref<640x128xf32, #tpu.memory_space<vmem_shared>>) target_semaphore(%run_scoped3A : memref<!tpu.dma_semaphore, #tpu.memory_space<semaphore_mem>>)
      %dma_wait3A = arith.constant 0 : i32
      %dma_wait3A_37 = tpu.memref_slice %arg11[%mul3A_2, %dma_wait3A] : memref<10240x128xf32, #tpu.memory_space<vmem_shared>> -> memref<640x128xf32, #tpu.memory_space<vmem_shared>>
      tpu.wait_dma2 semaphore(%run_scoped3A : memref<!tpu.dma_semaphore, #tpu.memory_space<semaphore_mem>>) src(%arg5 : memref<640x128xf32, #tpu.memory_space<hbm>>) dst(%dma_wait3A_37 : memref<640x128xf32, #tpu.memory_space<vmem_shared>>)
      tpu.yield
    }) : () -> ()
    %barrier3A = arith.constant 0 : index
    tpu.barrier barrier_id(%barrier3A)
    %eq3A = arith.constant 0 : i32
    %eq3A_3 = arith.cmpi eq, %arg0, %eq3A : i32
    %select_n3A = arith.constant 1 : i32
    %select_n3A_4 = arith.constant 3 : i32
    %select_n3A_5 = arith.select %eq3A_3, %select_n3A_4, %select_n3A : i32
    %eq3A_6 = arith.constant 0 : i32
    %eq3A_7 = arith.cmpi eq, %arg0, %eq3A_6 : i32
    %mul3A_8 = arith.constant 120 : i32
    %mul3A_9 = arith.muli %arg1, %mul3A_8 : i32
    %mul3A_10 = arith.constant 40 : i32
    %mul3A_11 = arith.muli %arg1, %mul3A_10 : i32
    %add3A_12 = arith.constant 1920 : i32
    %add3A_13 = arith.addi %add3A_12, %mul3A_11 : i32
    %select_n3A_14 = arith.select %eq3A_7, %mul3A_9, %add3A_13 : i32
    %sub3A = arith.constant 0 : i32
    %sub3A_15 = arith.subi %select_n3A_5, %sub3A : i32
    %sub3A_16 = arith.constant 1 : i32
    %sub3A_17 = arith.constant 1 : i32
    %sub3A_18 = arith.subi %sub3A_16, %sub3A_17 : i32
    %add3A_19 = arith.addi %sub3A_15, %sub3A_18 : i32
    %div3A = arith.constant 1 : i32
    %div3A_20 = arith.divsi %add3A_19, %div3A : i32
    %while3A = arith.constant 1 : i32
    %while3A_21 = arith.constant 0 : i32
    %while3A_22 = arith.constant 0 : i32
    %while3A_23 = arith.subi %div3A_20, %while3A_22 : i32
    %while3A_24 = arith.addi %while3A_22, %while3A_23 : i32
    %while3A_25 = arith.constant 1 : i32
    %while3A_26 = arith.divsi %while3A_23, %while3A_25 : i32
    %while3A_27 = arith.muli %while3A_26, %while3A_25 : i32
    %while3A_28 = arith.addi %while3A_22, %while3A_27 : i32
    %while3A_29 = arith.constant 1 : i32
    scf.for %while3A_36 = %while3A_22 to %while3A_28 step %while3A_29  : i32 {
      %mul3A_37 = arith.muli %while3A_36, %while3A : i32
      %add3A_38 = arith.addi %while3A_21, %mul3A_37 : i32
      %mul3A_39 = arith.constant 40 : i32
      %mul3A_40 = arith.muli %add3A_38, %mul3A_39 : i32
      %add3A_41 = arith.addi %select_n3A_14, %mul3A_40 : i32
      "tpu.region"() ({
        %run_scoped3A = tpu.sem_alloc : memref<!tpu.dma_semaphore, #tpu.memory_space<semaphore_mem>>
        %dma_start3A_59 = arith.constant 0 : i32
        %dma_start3A_60 = tpu.memref_slice %arg3[%add3A_41, %dma_start3A_59] : memref<2560x128xi32, #tpu.memory_space<hbm>> -> memref<40x128xi32, #tpu.memory_space<hbm>>
        %dma_start3A_61 = arith.constant 0 : i32
        %dma_start3A_62 = tpu.memref_slice %arg3[%add3A_41, %dma_start3A_61] : memref<2560x128xi32, #tpu.memory_space<hbm>> -> memref<40x128xi32, #tpu.memory_space<hbm>>
        tpu.enqueue_dma source(%dma_start3A_62 : memref<40x128xi32, #tpu.memory_space<hbm>>) target(%arg7 : memref<40x128xi32, #tpu.memory_space<vmem>>) target_semaphore(%run_scoped3A : memref<!tpu.dma_semaphore, #tpu.memory_space<semaphore_mem>>)
        %dma_wait3A = arith.constant 0 : i32
        %dma_wait3A_63 = tpu.memref_slice %arg3[%add3A_41, %dma_wait3A] : memref<2560x128xi32, #tpu.memory_space<hbm>> -> memref<40x128xi32, #tpu.memory_space<hbm>>
        %dma_wait3A_64 = arith.constant 0 : i32
        %dma_wait3A_65 = tpu.memref_slice %arg3[%add3A_41, %dma_wait3A_64] : memref<2560x128xi32, #tpu.memory_space<hbm>> -> memref<40x128xi32, #tpu.memory_space<hbm>>
        tpu.wait_dma2 semaphore(%run_scoped3A : memref<!tpu.dma_semaphore, #tpu.memory_space<semaphore_mem>>) src(%dma_wait3A_65 : memref<40x128xi32, #tpu.memory_space<hbm>>) dst(%arg7 : memref<40x128xi32, #tpu.memory_space<vmem>>)
        tpu.yield
      }) : () -> ()
      "tpu.region"() ({
        %run_scoped3A = tpu.sem_alloc : memref<!tpu.dma_semaphore, #tpu.memory_space<semaphore_mem>>
        %dma_start3A_59 = arith.constant 0 : i32
        %dma_start3A_60 = tpu.memref_slice %arg4[%add3A_41, %dma_start3A_59] : memref<2560x128xi32, #tpu.memory_space<hbm>> -> memref<40x128xi32, #tpu.memory_space<hbm>>
        %dma_start3A_61 = arith.constant 0 : i32
        %dma_start3A_62 = tpu.memref_slice %arg4[%add3A_41, %dma_start3A_61] : memref<2560x128xi32, #tpu.memory_space<hbm>> -> memref<40x128xi32, #tpu.memory_space<hbm>>
        tpu.enqueue_dma source(%dma_start3A_62 : memref<40x128xi32, #tpu.memory_space<hbm>>) target(%arg8 : memref<40x128xi32, #tpu.memory_space<vmem>>) target_semaphore(%run_scoped3A : memref<!tpu.dma_semaphore, #tpu.memory_space<semaphore_mem>>)
        %dma_wait3A = arith.constant 0 : i32
        %dma_wait3A_63 = tpu.memref_slice %arg4[%add3A_41, %dma_wait3A] : memref<2560x128xi32, #tpu.memory_space<hbm>> -> memref<40x128xi32, #tpu.memory_space<hbm>>
        %dma_wait3A_64 = arith.constant 0 : i32
        %dma_wait3A_65 = tpu.memref_slice %arg4[%add3A_41, %dma_wait3A_64] : memref<2560x128xi32, #tpu.memory_space<hbm>> -> memref<40x128xi32, #tpu.memory_space<hbm>>
        tpu.wait_dma2 semaphore(%run_scoped3A : memref<!tpu.dma_semaphore, #tpu.memory_space<semaphore_mem>>) src(%dma_wait3A_65 : memref<40x128xi32, #tpu.memory_space<hbm>>) dst(%arg8 : memref<40x128xi32, #tpu.memory_space<vmem>>)
        tpu.yield
      }) : () -> ()
      %dma_start3A = arith.constant 0 : i32
      %dma_start3A_42 = arith.constant 0 : i32
      %dma_start3A_43 = tpu.memref_slice %arg7[%dma_start3A, %dma_start3A_42] : memref<40x128xi32, #tpu.memory_space<vmem>> -> memref<1x128xi32, #tpu.memory_space<vmem>>
      %dma_start3A_44 = tpu.memref_squeeze %dma_start3A_43 : memref<1x128xi32, #tpu.memory_space<vmem>> -> memref<128xi32, #tpu.memory_space<vmem>>
      %dma_start3A_45 = arith.constant 0 : i32
      %dma_start3A_46 = arith.constant 0 : i32
      %dma_start3A_47 = tpu.memref_slice %arg2[%dma_start3A_45, %dma_start3A_46] : memref<10240x128xf32, #tpu.memory_space<hbm>> -> memref<10240x128xf32, #tpu.memory_space<hbm>>
      tpu.enqueue_indirect_dma source(%dma_start3A_47 : memref<10240x128xf32, #tpu.memory_space<hbm>>) target(%arg9 : memref<128x128xf32, #tpu.memory_space<vmem>>) offsets(%dma_start3A_44 : memref<128xi32, #tpu.memory_space<vmem>>) semaphore(%arg12 : memref<!tpu.dma_semaphore, #tpu.memory_space<semaphore_mem>>)
      %dma_start3A_48 = arith.constant 1 : i32
      %dma_start3A_49 = arith.constant 0 : i32
      %dma_start3A_50 = tpu.memref_slice %arg7[%dma_start3A_48, %dma_start3A_49] : memref<40x128xi32, #tpu.memory_space<vmem>> -> memref<1x128xi32, #tpu.memory_space<vmem>>
      %dma_start3A_51 = tpu.memref_squeeze %dma_start3A_50 : memref<1x128xi32, #tpu.memory_space<vmem>> -> memref<128xi32, #tpu.memory_space<vmem>>
      %dma_start3A_52 = arith.constant 0 : i32
      %dma_start3A_53 = arith.constant 0 : i32
      %dma_start3A_54 = tpu.memref_slice %arg2[%dma_start3A_52, %dma_start3A_53] : memref<10240x128xf32, #tpu.memory_space<hbm>> -> memref<10240x128xf32, #tpu.memory_space<hbm>>
      tpu.enqueue_indirect_dma source(%dma_start3A_54 : memref<10240x128xf32, #tpu.memory_space<hbm>>) target(%arg10 : memref<128x128xf32, #tpu.memory_space<vmem>>) offsets(%dma_start3A_51 : memref<128xi32, #tpu.memory_space<vmem>>) semaphore(%arg13 : memref<!tpu.dma_semaphore, #tpu.memory_space<semaphore_mem>>)
      %scan3A = arith.constant 0 : i32
      %scan3A_55 = arith.constant 20 : i32
      %scan3A_56 = arith.addi %scan3A, %scan3A_55 : i32
      %scan3A_57 = arith.constant 1 : i32
      scf.for %scan3A_59 = %scan3A to %scan3A_56 step %scan3A_57  : i32 {
        %mul3A_60 = arith.constant 2 : i32
        %mul3A_61 = arith.muli %scan3A_59, %mul3A_60 : i32
        %add3A_62 = arith.constant 0 : i32
        %add3A_63 = arith.addi %add3A_62, %mul3A_61 : i32
        %add3A_64 = arith.constant 0 : i32
        %add3A_65 = arith.addi %add3A_63, %add3A_64 : i32
        %dma_wait3A = arith.constant 0 : i32
        %dma_wait3A_66 = tpu.memref_slice %arg7[%add3A_65, %dma_wait3A] : memref<40x128xi32, #tpu.memory_space<vmem>> -> memref<1x128xi32, #tpu.memory_space<vmem>>
        %dma_wait3A_67 = tpu.memref_squeeze %dma_wait3A_66 : memref<1x128xi32, #tpu.memory_space<vmem>> -> memref<128xi32, #tpu.memory_space<vmem>>
        %dma_wait3A_68 = arith.constant 0 : i32
        %dma_wait3A_69 = arith.constant 0 : i32
        %dma_wait3A_70 = tpu.memref_slice %arg2[%dma_wait3A_68, %dma_wait3A_69] : memref<10240x128xf32, #tpu.memory_space<hbm>> -> memref<10240x128xf32, #tpu.memory_space<hbm>>
        tpu.wait_indirect_dma semaphore(%arg12 : memref<!tpu.dma_semaphore, #tpu.memory_space<semaphore_mem>>) src(%dma_wait3A_70 : memref<10240x128xf32, #tpu.memory_space<hbm>>) dst(%arg9 : memref<128x128xf32, #tpu.memory_space<vmem>>)
        "tpu.region"() ({
          %run_scoped3A = tpu.sem_alloc : memref<!tpu.dma_semaphore, #tpu.memory_space<semaphore_mem>>
          %dma_start3A_90 = arith.constant 0 : i32
          %dma_start3A_91 = tpu.memref_slice %arg8[%add3A_65, %dma_start3A_90] : memref<40x128xi32, #tpu.memory_space<vmem>> -> memref<1x128xi32, #tpu.memory_space<vmem>>
          %dma_start3A_92 = tpu.memref_squeeze %dma_start3A_91 : memref<1x128xi32, #tpu.memory_space<vmem>> -> memref<128xi32, #tpu.memory_space<vmem>>
          %dma_start3A_93 = arith.constant 0 : i32
          %dma_start3A_94 = arith.constant 0 : i32
          %dma_start3A_95 = tpu.memref_slice %arg11[%dma_start3A_93, %dma_start3A_94] : memref<10240x128xf32, #tpu.memory_space<vmem_shared>> -> memref<10240x128xf32, #tpu.memory_space<vmem_shared>>
          tpu.enqueue_indirect_dma source(%arg9 : memref<128x128xf32, #tpu.memory_space<vmem>>) target(%dma_start3A_95 : memref<10240x128xf32, #tpu.memory_space<vmem_shared>>) offsets(%dma_start3A_92 : memref<128xi32, #tpu.memory_space<vmem>>) semaphore(%run_scoped3A : memref<!tpu.dma_semaphore, #tpu.memory_space<semaphore_mem>>) {add = true}
          %dma_wait3A_96 = arith.constant 0 : i32
          %dma_wait3A_97 = tpu.memref_slice %arg8[%add3A_65, %dma_wait3A_96] : memref<40x128xi32, #tpu.memory_space<vmem>> -> memref<1x128xi32, #tpu.memory_space<vmem>>
          %dma_wait3A_98 = tpu.memref_squeeze %dma_wait3A_97 : memref<1x128xi32, #tpu.memory_space<vmem>> -> memref<128xi32, #tpu.memory_space<vmem>>
          %dma_wait3A_99 = arith.constant 0 : i32
          %dma_wait3A_100 = arith.constant 0 : i32
          %dma_wait3A_101 = tpu.memref_slice %arg11[%dma_wait3A_99, %dma_wait3A_100] : memref<10240x128xf32, #tpu.memory_space<vmem_shared>> -> memref<10240x128xf32, #tpu.memory_space<vmem_shared>>
          tpu.wait_indirect_dma semaphore(%run_scoped3A : memref<!tpu.dma_semaphore, #tpu.memory_space<semaphore_mem>>) src(%arg9 : memref<128x128xf32, #tpu.memory_space<vmem>>) dst(%dma_wait3A_101 : memref<10240x128xf32, #tpu.memory_space<vmem_shared>>)
          tpu.yield
        }) : () -> ()
        %add3A_71 = arith.constant 2 : i32
        %add3A_72 = arith.addi %add3A_65, %add3A_71 : i32
        %lt3A = arith.constant 40 : i32
        %lt3A_73 = arith.cmpi slt, %add3A_72, %lt3A : i32
        %convert_element_type3A = arith.extui %lt3A_73 : i1 to i32
        %cond3A = arith.constant 0 : i32
        %cond3A_74 = arith.cmpi ne, %convert_element_type3A, %cond3A : i32
        scf.if %cond3A_74 {
          %add3A_90 = arith.constant 2 : i32
          %add3A_91 = arith.addi %add3A_65, %add3A_90 : i32
          %dma_start3A_92 = arith.constant 0 : i32
          %dma_start3A_93 = tpu.memref_slice %arg7[%add3A_91, %dma_start3A_92] : memref<40x128xi32, #tpu.memory_space<vmem>> -> memref<1x128xi32, #tpu.memory_space<vmem>>
          %dma_start3A_94 = tpu.memref_squeeze %dma_start3A_93 : memref<1x128xi32, #tpu.memory_space<vmem>> -> memref<128xi32, #tpu.memory_space<vmem>>
          %dma_start3A_95 = arith.constant 0 : i32
          %dma_start3A_96 = arith.constant 0 : i32
          %dma_start3A_97 = tpu.memref_slice %arg2[%dma_start3A_95, %dma_start3A_96] : memref<10240x128xf32, #tpu.memory_space<hbm>> -> memref<10240x128xf32, #tpu.memory_space<hbm>>
          tpu.enqueue_indirect_dma source(%dma_start3A_97 : memref<10240x128xf32, #tpu.memory_space<hbm>>) target(%arg9 : memref<128x128xf32, #tpu.memory_space<vmem>>) offsets(%dma_start3A_94 : memref<128xi32, #tpu.memory_space<vmem>>) semaphore(%arg12 : memref<!tpu.dma_semaphore, #tpu.memory_space<semaphore_mem>>)
        } else {
        }
        %add3A_75 = arith.constant 1 : i32
        %add3A_76 = arith.addi %add3A_63, %add3A_75 : i32
        %dma_wait3A_77 = arith.constant 0 : i32
        %dma_wait3A_78 = tpu.memref_slice %arg7[%add3A_76, %dma_wait3A_77] : memref<40x128xi32, #tpu.memory_space<vmem>> -> memref<1x128xi32, #tpu.memory_space<vmem>>
        %dma_wait3A_79 = tpu.memref_squeeze %dma_wait3A_78 : memref<1x128xi32, #tpu.memory_space<vmem>> -> memref<128xi32, #tpu.memory_space<vmem>>
        %dma_wait3A_80 = arith.constant 0 : i32
        %dma_wait3A_81 = arith.constant 0 : i32
        %dma_wait3A_82 = tpu.memref_slice %arg2[%dma_wait3A_80, %dma_wait3A_81] : memref<10240x128xf32, #tpu.memory_space<hbm>> -> memref<10240x128xf32, #tpu.memory_space<hbm>>
        tpu.wait_indirect_dma semaphore(%arg13 : memref<!tpu.dma_semaphore, #tpu.memory_space<semaphore_mem>>) src(%dma_wait3A_82 : memref<10240x128xf32, #tpu.memory_space<hbm>>) dst(%arg10 : memref<128x128xf32, #tpu.memory_space<vmem>>)
        "tpu.region"() ({
          %run_scoped3A = tpu.sem_alloc : memref<!tpu.dma_semaphore, #tpu.memory_space<semaphore_mem>>
          %dma_start3A_90 = arith.constant 0 : i32
          %dma_start3A_91 = tpu.memref_slice %arg8[%add3A_76, %dma_start3A_90] : memref<40x128xi32, #tpu.memory_space<vmem>> -> memref<1x128xi32, #tpu.memory_space<vmem>>
          %dma_start3A_92 = tpu.memref_squeeze %dma_start3A_91 : memref<1x128xi32, #tpu.memory_space<vmem>> -> memref<128xi32, #tpu.memory_space<vmem>>
          %dma_start3A_93 = arith.constant 0 : i32
          %dma_start3A_94 = arith.constant 0 : i32
          %dma_start3A_95 = tpu.memref_slice %arg11[%dma_start3A_93, %dma_start3A_94] : memref<10240x128xf32, #tpu.memory_space<vmem_shared>> -> memref<10240x128xf32, #tpu.memory_space<vmem_shared>>
          tpu.enqueue_indirect_dma source(%arg10 : memref<128x128xf32, #tpu.memory_space<vmem>>) target(%dma_start3A_95 : memref<10240x128xf32, #tpu.memory_space<vmem_shared>>) offsets(%dma_start3A_92 : memref<128xi32, #tpu.memory_space<vmem>>) semaphore(%run_scoped3A : memref<!tpu.dma_semaphore, #tpu.memory_space<semaphore_mem>>) {add = true}
          %dma_wait3A_96 = arith.constant 0 : i32
          %dma_wait3A_97 = tpu.memref_slice %arg8[%add3A_76, %dma_wait3A_96] : memref<40x128xi32, #tpu.memory_space<vmem>> -> memref<1x128xi32, #tpu.memory_space<vmem>>
          %dma_wait3A_98 = tpu.memref_squeeze %dma_wait3A_97 : memref<1x128xi32, #tpu.memory_space<vmem>> -> memref<128xi32, #tpu.memory_space<vmem>>
          %dma_wait3A_99 = arith.constant 0 : i32
          %dma_wait3A_100 = arith.constant 0 : i32
          %dma_wait3A_101 = tpu.memref_slice %arg11[%dma_wait3A_99, %dma_wait3A_100] : memref<10240x128xf32, #tpu.memory_space<vmem_shared>> -> memref<10240x128xf32, #tpu.memory_space<vmem_shared>>
          tpu.wait_indirect_dma semaphore(%run_scoped3A : memref<!tpu.dma_semaphore, #tpu.memory_space<semaphore_mem>>) src(%arg10 : memref<128x128xf32, #tpu.memory_space<vmem>>) dst(%dma_wait3A_101 : memref<10240x128xf32, #tpu.memory_space<vmem_shared>>)
          tpu.yield
        }) : () -> ()
        %add3A_83 = arith.constant 2 : i32
        %add3A_84 = arith.addi %add3A_76, %add3A_83 : i32
        %lt3A_85 = arith.constant 40 : i32
        %lt3A_86 = arith.cmpi slt, %add3A_84, %lt3A_85 : i32
        %convert_element_type3A_87 = arith.extui %lt3A_86 : i1 to i32
        %cond3A_88 = arith.constant 0 : i32
        %cond3A_89 = arith.cmpi ne, %convert_element_type3A_87, %cond3A_88 : i32
        scf.if %cond3A_89 {
          %add3A_90 = arith.constant 2 : i32
          %add3A_91 = arith.addi %add3A_76, %add3A_90 : i32
          %dma_start3A_92 = arith.constant 0 : i32
          %dma_start3A_93 = tpu.memref_slice %arg7[%add3A_91, %dma_start3A_92] : memref<40x128xi32, #tpu.memory_space<vmem>> -> memref<1x128xi32, #tpu.memory_space<vmem>>
          %dma_start3A_94 = tpu.memref_squeeze %dma_start3A_93 : memref<1x128xi32, #tpu.memory_space<vmem>> -> memref<128xi32, #tpu.memory_space<vmem>>
          %dma_start3A_95 = arith.constant 0 : i32
          %dma_start3A_96 = arith.constant 0 : i32
          %dma_start3A_97 = tpu.memref_slice %arg2[%dma_start3A_95, %dma_start3A_96] : memref<10240x128xf32, #tpu.memory_space<hbm>> -> memref<10240x128xf32, #tpu.memory_space<hbm>>
          tpu.enqueue_indirect_dma source(%dma_start3A_97 : memref<10240x128xf32, #tpu.memory_space<hbm>>) target(%arg10 : memref<128x128xf32, #tpu.memory_space<vmem>>) offsets(%dma_start3A_94 : memref<128xi32, #tpu.memory_space<vmem>>) semaphore(%arg13 : memref<!tpu.dma_semaphore, #tpu.memory_space<semaphore_mem>>)
        } else {
        }
      }
      %scan3A_58 = arith.constant 20 : i32
    }
    %while3A_30 = arith.constant 1 : i32
    scf.for %while3A_36 = %while3A_28 to %while3A_24 step %while3A_30  : i32 {
      %mul3A_37 = arith.muli %while3A_36, %while3A : i32
      %add3A_38 = arith.addi %while3A_21, %mul3A_37 : i32
      %mul3A_39 = arith.constant 40 : i32
      %mul3A_40 = arith.muli %add3A_38, %mul3A_39 : i32
      %add3A_41 = arith.addi %select_n3A_14, %mul3A_40 : i32
      "tpu.region"() ({
        %run_scoped3A = tpu.sem_alloc : memref<!tpu.dma_semaphore, #tpu.memory_space<semaphore_mem>>
        %dma_start3A_59 = arith.constant 0 : i32
        %dma_start3A_60 = tpu.memref_slice %arg3[%add3A_41, %dma_start3A_59] : memref<2560x128xi32, #tpu.memory_space<hbm>> -> memref<40x128xi32, #tpu.memory_space<hbm>>
        %dma_start3A_61 = arith.constant 0 : i32
        %dma_start3A_62 = tpu.memref_slice %arg3[%add3A_41, %dma_start3A_61] : memref<2560x128xi32, #tpu.memory_space<hbm>> -> memref<40x128xi32, #tpu.memory_space<hbm>>
        tpu.enqueue_dma source(%dma_start3A_62 : memref<40x128xi32, #tpu.memory_space<hbm>>) target(%arg7 : memref<40x128xi32, #tpu.memory_space<vmem>>) target_semaphore(%run_scoped3A : memref<!tpu.dma_semaphore, #tpu.memory_space<semaphore_mem>>)
        %dma_wait3A = arith.constant 0 : i32
        %dma_wait3A_63 = tpu.memref_slice %arg3[%add3A_41, %dma_wait3A] : memref<2560x128xi32, #tpu.memory_space<hbm>> -> memref<40x128xi32, #tpu.memory_space<hbm>>
        %dma_wait3A_64 = arith.constant 0 : i32
        %dma_wait3A_65 = tpu.memref_slice %arg3[%add3A_41, %dma_wait3A_64] : memref<2560x128xi32, #tpu.memory_space<hbm>> -> memref<40x128xi32, #tpu.memory_space<hbm>>
        tpu.wait_dma2 semaphore(%run_scoped3A : memref<!tpu.dma_semaphore, #tpu.memory_space<semaphore_mem>>) src(%dma_wait3A_65 : memref<40x128xi32, #tpu.memory_space<hbm>>) dst(%arg7 : memref<40x128xi32, #tpu.memory_space<vmem>>)
        tpu.yield
      }) : () -> ()
      "tpu.region"() ({
        %run_scoped3A = tpu.sem_alloc : memref<!tpu.dma_semaphore, #tpu.memory_space<semaphore_mem>>
        %dma_start3A_59 = arith.constant 0 : i32
        %dma_start3A_60 = tpu.memref_slice %arg4[%add3A_41, %dma_start3A_59] : memref<2560x128xi32, #tpu.memory_space<hbm>> -> memref<40x128xi32, #tpu.memory_space<hbm>>
        %dma_start3A_61 = arith.constant 0 : i32
        %dma_start3A_62 = tpu.memref_slice %arg4[%add3A_41, %dma_start3A_61] : memref<2560x128xi32, #tpu.memory_space<hbm>> -> memref<40x128xi32, #tpu.memory_space<hbm>>
        tpu.enqueue_dma source(%dma_start3A_62 : memref<40x128xi32, #tpu.memory_space<hbm>>) target(%arg8 : memref<40x128xi32, #tpu.memory_space<vmem>>) target_semaphore(%run_scoped3A : memref<!tpu.dma_semaphore, #tpu.memory_space<semaphore_mem>>)
        %dma_wait3A = arith.constant 0 : i32
        %dma_wait3A_63 = tpu.memref_slice %arg4[%add3A_41, %dma_wait3A] : memref<2560x128xi32, #tpu.memory_space<hbm>> -> memref<40x128xi32, #tpu.memory_space<hbm>>
        %dma_wait3A_64 = arith.constant 0 : i32
        %dma_wait3A_65 = tpu.memref_slice %arg4[%add3A_41, %dma_wait3A_64] : memref<2560x128xi32, #tpu.memory_space<hbm>> -> memref<40x128xi32, #tpu.memory_space<hbm>>
        tpu.wait_dma2 semaphore(%run_scoped3A : memref<!tpu.dma_semaphore, #tpu.memory_space<semaphore_mem>>) src(%dma_wait3A_65 : memref<40x128xi32, #tpu.memory_space<hbm>>) dst(%arg8 : memref<40x128xi32, #tpu.memory_space<vmem>>)
        tpu.yield
      }) : () -> ()
      %dma_start3A = arith.constant 0 : i32
      %dma_start3A_42 = arith.constant 0 : i32
      %dma_start3A_43 = tpu.memref_slice %arg7[%dma_start3A, %dma_start3A_42] : memref<40x128xi32, #tpu.memory_space<vmem>> -> memref<1x128xi32, #tpu.memory_space<vmem>>
      %dma_start3A_44 = tpu.memref_squeeze %dma_start3A_43 : memref<1x128xi32, #tpu.memory_space<vmem>> -> memref<128xi32, #tpu.memory_space<vmem>>
      %dma_start3A_45 = arith.constant 0 : i32
      %dma_start3A_46 = arith.constant 0 : i32
      %dma_start3A_47 = tpu.memref_slice %arg2[%dma_start3A_45, %dma_start3A_46] : memref<10240x128xf32, #tpu.memory_space<hbm>> -> memref<10240x128xf32, #tpu.memory_space<hbm>>
      tpu.enqueue_indirect_dma source(%dma_start3A_47 : memref<10240x128xf32, #tpu.memory_space<hbm>>) target(%arg9 : memref<128x128xf32, #tpu.memory_space<vmem>>) offsets(%dma_start3A_44 : memref<128xi32, #tpu.memory_space<vmem>>) semaphore(%arg12 : memref<!tpu.dma_semaphore, #tpu.memory_space<semaphore_mem>>)
      %dma_start3A_48 = arith.constant 1 : i32
      %dma_start3A_49 = arith.constant 0 : i32
      %dma_start3A_50 = tpu.memref_slice %arg7[%dma_start3A_48, %dma_start3A_49] : memref<40x128xi32, #tpu.memory_space<vmem>> -> memref<1x128xi32, #tpu.memory_space<vmem>>
      %dma_start3A_51 = tpu.memref_squeeze %dma_start3A_50 : memref<1x128xi32, #tpu.memory_space<vmem>> -> memref<128xi32, #tpu.memory_space<vmem>>
      %dma_start3A_52 = arith.constant 0 : i32
      %dma_start3A_53 = arith.constant 0 : i32
      %dma_start3A_54 = tpu.memref_slice %arg2[%dma_start3A_52, %dma_start3A_53] : memref<10240x128xf32, #tpu.memory_space<hbm>> -> memref<10240x128xf32, #tpu.memory_space<hbm>>
      tpu.enqueue_indirect_dma source(%dma_start3A_54 : memref<10240x128xf32, #tpu.memory_space<hbm>>) target(%arg10 : memref<128x128xf32, #tpu.memory_space<vmem>>) offsets(%dma_start3A_51 : memref<128xi32, #tpu.memory_space<vmem>>) semaphore(%arg13 : memref<!tpu.dma_semaphore, #tpu.memory_space<semaphore_mem>>)
      %scan3A = arith.constant 0 : i32
      %scan3A_55 = arith.constant 20 : i32
      %scan3A_56 = arith.addi %scan3A, %scan3A_55 : i32
      %scan3A_57 = arith.constant 1 : i32
      scf.for %scan3A_59 = %scan3A to %scan3A_56 step %scan3A_57  : i32 {
        %mul3A_60 = arith.constant 2 : i32
        %mul3A_61 = arith.muli %scan3A_59, %mul3A_60 : i32
        %add3A_62 = arith.constant 0 : i32
        %add3A_63 = arith.addi %add3A_62, %mul3A_61 : i32
        %add3A_64 = arith.constant 0 : i32
        %add3A_65 = arith.addi %add3A_63, %add3A_64 : i32
        %dma_wait3A = arith.constant 0 : i32
        %dma_wait3A_66 = tpu.memref_slice %arg7[%add3A_65, %dma_wait3A] : memref<40x128xi32, #tpu.memory_space<vmem>> -> memref<1x128xi32, #tpu.memory_space<vmem>>
        %dma_wait3A_67 = tpu.memref_squeeze %dma_wait3A_66 : memref<1x128xi32, #tpu.memory_space<vmem>> -> memref<128xi32, #tpu.memory_space<vmem>>
        %dma_wait3A_68 = arith.constant 0 : i32
        %dma_wait3A_69 = arith.constant 0 : i32
        %dma_wait3A_70 = tpu.memref_slice %arg2[%dma_wait3A_68, %dma_wait3A_69] : memref<10240x128xf32, #tpu.memory_space<hbm>> -> memref<10240x128xf32, #tpu.memory_space<hbm>>
        tpu.wait_indirect_dma semaphore(%arg12 : memref<!tpu.dma_semaphore, #tpu.memory_space<semaphore_mem>>) src(%dma_wait3A_70 : memref<10240x128xf32, #tpu.memory_space<hbm>>) dst(%arg9 : memref<128x128xf32, #tpu.memory_space<vmem>>)
        "tpu.region"() ({
          %run_scoped3A = tpu.sem_alloc : memref<!tpu.dma_semaphore, #tpu.memory_space<semaphore_mem>>
          %dma_start3A_90 = arith.constant 0 : i32
          %dma_start3A_91 = tpu.memref_slice %arg8[%add3A_65, %dma_start3A_90] : memref<40x128xi32, #tpu.memory_space<vmem>> -> memref<1x128xi32, #tpu.memory_space<vmem>>
          %dma_start3A_92 = tpu.memref_squeeze %dma_start3A_91 : memref<1x128xi32, #tpu.memory_space<vmem>> -> memref<128xi32, #tpu.memory_space<vmem>>
          %dma_start3A_93 = arith.constant 0 : i32
          %dma_start3A_94 = arith.constant 0 : i32
          %dma_start3A_95 = tpu.memref_slice %arg11[%dma_start3A_93, %dma_start3A_94] : memref<10240x128xf32, #tpu.memory_space<vmem_shared>> -> memref<10240x128xf32, #tpu.memory_space<vmem_shared>>
          tpu.enqueue_indirect_dma source(%arg9 : memref<128x128xf32, #tpu.memory_space<vmem>>) target(%dma_start3A_95 : memref<10240x128xf32, #tpu.memory_space<vmem_shared>>) offsets(%dma_start3A_92 : memref<128xi32, #tpu.memory_space<vmem>>) semaphore(%run_scoped3A : memref<!tpu.dma_semaphore, #tpu.memory_space<semaphore_mem>>) {add = true}
          %dma_wait3A_96 = arith.constant 0 : i32
          %dma_wait3A_97 = tpu.memref_slice %arg8[%add3A_65, %dma_wait3A_96] : memref<40x128xi32, #tpu.memory_space<vmem>> -> memref<1x128xi32, #tpu.memory_space<vmem>>
          %dma_wait3A_98 = tpu.memref_squeeze %dma_wait3A_97 : memref<1x128xi32, #tpu.memory_space<vmem>> -> memref<128xi32, #tpu.memory_space<vmem>>
          %dma_wait3A_99 = arith.constant 0 : i32
          %dma_wait3A_100 = arith.constant 0 : i32
          %dma_wait3A_101 = tpu.memref_slice %arg11[%dma_wait3A_99, %dma_wait3A_100] : memref<10240x128xf32, #tpu.memory_space<vmem_shared>> -> memref<10240x128xf32, #tpu.memory_space<vmem_shared>>
          tpu.wait_indirect_dma semaphore(%run_scoped3A : memref<!tpu.dma_semaphore, #tpu.memory_space<semaphore_mem>>) src(%arg9 : memref<128x128xf32, #tpu.memory_space<vmem>>) dst(%dma_wait3A_101 : memref<10240x128xf32, #tpu.memory_space<vmem_shared>>)
          tpu.yield
        }) : () -> ()
        %add3A_71 = arith.constant 2 : i32
        %add3A_72 = arith.addi %add3A_65, %add3A_71 : i32
        %lt3A = arith.constant 40 : i32
        %lt3A_73 = arith.cmpi slt, %add3A_72, %lt3A : i32
        %convert_element_type3A = arith.extui %lt3A_73 : i1 to i32
        %cond3A = arith.constant 0 : i32
        %cond3A_74 = arith.cmpi ne, %convert_element_type3A, %cond3A : i32
        scf.if %cond3A_74 {
          %add3A_90 = arith.constant 2 : i32
          %add3A_91 = arith.addi %add3A_65, %add3A_90 : i32
          %dma_start3A_92 = arith.constant 0 : i32
          %dma_start3A_93 = tpu.memref_slice %arg7[%add3A_91, %dma_start3A_92] : memref<40x128xi32, #tpu.memory_space<vmem>> -> memref<1x128xi32, #tpu.memory_space<vmem>>
          %dma_start3A_94 = tpu.memref_squeeze %dma_start3A_93 : memref<1x128xi32, #tpu.memory_space<vmem>> -> memref<128xi32, #tpu.memory_space<vmem>>
          %dma_start3A_95 = arith.constant 0 : i32
          %dma_start3A_96 = arith.constant 0 : i32
          %dma_start3A_97 = tpu.memref_slice %arg2[%dma_start3A_95, %dma_start3A_96] : memref<10240x128xf32, #tpu.memory_space<hbm>> -> memref<10240x128xf32, #tpu.memory_space<hbm>>
          tpu.enqueue_indirect_dma source(%dma_start3A_97 : memref<10240x128xf32, #tpu.memory_space<hbm>>) target(%arg9 : memref<128x128xf32, #tpu.memory_space<vmem>>) offsets(%dma_start3A_94 : memref<128xi32, #tpu.memory_space<vmem>>) semaphore(%arg12 : memref<!tpu.dma_semaphore, #tpu.memory_space<semaphore_mem>>)
        } else {
        }
        %add3A_75 = arith.constant 1 : i32
        %add3A_76 = arith.addi %add3A_63, %add3A_75 : i32
        %dma_wait3A_77 = arith.constant 0 : i32
        %dma_wait3A_78 = tpu.memref_slice %arg7[%add3A_76, %dma_wait3A_77] : memref<40x128xi32, #tpu.memory_space<vmem>> -> memref<1x128xi32, #tpu.memory_space<vmem>>
        %dma_wait3A_79 = tpu.memref_squeeze %dma_wait3A_78 : memref<1x128xi32, #tpu.memory_space<vmem>> -> memref<128xi32, #tpu.memory_space<vmem>>
        %dma_wait3A_80 = arith.constant 0 : i32
        %dma_wait3A_81 = arith.constant 0 : i32
        %dma_wait3A_82 = tpu.memref_slice %arg2[%dma_wait3A_80, %dma_wait3A_81] : memref<10240x128xf32, #tpu.memory_space<hbm>> -> memref<10240x128xf32, #tpu.memory_space<hbm>>
        tpu.wait_indirect_dma semaphore(%arg13 : memref<!tpu.dma_semaphore, #tpu.memory_space<semaphore_mem>>) src(%dma_wait3A_82 : memref<10240x128xf32, #tpu.memory_space<hbm>>) dst(%arg10 : memref<128x128xf32, #tpu.memory_space<vmem>>)
        "tpu.region"() ({
          %run_scoped3A = tpu.sem_alloc : memref<!tpu.dma_semaphore, #tpu.memory_space<semaphore_mem>>
          %dma_start3A_90 = arith.constant 0 : i32
          %dma_start3A_91 = tpu.memref_slice %arg8[%add3A_76, %dma_start3A_90] : memref<40x128xi32, #tpu.memory_space<vmem>> -> memref<1x128xi32, #tpu.memory_space<vmem>>
          %dma_start3A_92 = tpu.memref_squeeze %dma_start3A_91 : memref<1x128xi32, #tpu.memory_space<vmem>> -> memref<128xi32, #tpu.memory_space<vmem>>
          %dma_start3A_93 = arith.constant 0 : i32
          %dma_start3A_94 = arith.constant 0 : i32
          %dma_start3A_95 = tpu.memref_slice %arg11[%dma_start3A_93, %dma_start3A_94] : memref<10240x128xf32, #tpu.memory_space<vmem_shared>> -> memref<10240x128xf32, #tpu.memory_space<vmem_shared>>
          tpu.enqueue_indirect_dma source(%arg10 : memref<128x128xf32, #tpu.memory_space<vmem>>) target(%dma_start3A_95 : memref<10240x128xf32, #tpu.memory_space<vmem_shared>>) offsets(%dma_start3A_92 : memref<128xi32, #tpu.memory_space<vmem>>) semaphore(%run_scoped3A : memref<!tpu.dma_semaphore, #tpu.memory_space<semaphore_mem>>) {add = true}
          %dma_wait3A_96 = arith.constant 0 : i32
          %dma_wait3A_97 = tpu.memref_slice %arg8[%add3A_76, %dma_wait3A_96] : memref<40x128xi32, #tpu.memory_space<vmem>> -> memref<1x128xi32, #tpu.memory_space<vmem>>
          %dma_wait3A_98 = tpu.memref_squeeze %dma_wait3A_97 : memref<1x128xi32, #tpu.memory_space<vmem>> -> memref<128xi32, #tpu.memory_space<vmem>>
          %dma_wait3A_99 = arith.constant 0 : i32
          %dma_wait3A_100 = arith.constant 0 : i32
          %dma_wait3A_101 = tpu.memref_slice %arg11[%dma_wait3A_99, %dma_wait3A_100] : memref<10240x128xf32, #tpu.memory_space<vmem_shared>> -> memref<10240x128xf32, #tpu.memory_space<vmem_shared>>
          tpu.wait_indirect_dma semaphore(%run_scoped3A : memref<!tpu.dma_semaphore, #tpu.memory_space<semaphore_mem>>) src(%arg10 : memref<128x128xf32, #tpu.memory_space<vmem>>) dst(%dma_wait3A_101 : memref<10240x128xf32, #tpu.memory_space<vmem_shared>>)
          tpu.yield
        }) : () -> ()
        %add3A_83 = arith.constant 2 : i32
        %add3A_84 = arith.addi %add3A_76, %add3A_83 : i32
        %lt3A_85 = arith.constant 40 : i32
        %lt3A_86 = arith.cmpi slt, %add3A_84, %lt3A_85 : i32
        %convert_element_type3A_87 = arith.extui %lt3A_86 : i1 to i32
        %cond3A_88 = arith.constant 0 : i32
        %cond3A_89 = arith.cmpi ne, %convert_element_type3A_87, %cond3A_88 : i32
        scf.if %cond3A_89 {
          %add3A_90 = arith.constant 2 : i32
          %add3A_91 = arith.addi %add3A_76, %add3A_90 : i32
          %dma_start3A_92 = arith.constant 0 : i32
          %dma_start3A_93 = tpu.memref_slice %arg7[%add3A_91, %dma_start3A_92] : memref<40x128xi32, #tpu.memory_space<vmem>> -> memref<1x128xi32, #tpu.memory_space<vmem>>
          %dma_start3A_94 = tpu.memref_squeeze %dma_start3A_93 : memref<1x128xi32, #tpu.memory_space<vmem>> -> memref<128xi32, #tpu.memory_space<vmem>>
          %dma_start3A_95 = arith.constant 0 : i32
          %dma_start3A_96 = arith.constant 0 : i32
          %dma_start3A_97 = tpu.memref_slice %arg2[%dma_start3A_95, %dma_start3A_96] : memref<10240x128xf32, #tpu.memory_space<hbm>> -> memref<10240x128xf32, #tpu.memory_space<hbm>>
          tpu.enqueue_indirect_dma source(%dma_start3A_97 : memref<10240x128xf32, #tpu.memory_space<hbm>>) target(%arg10 : memref<128x128xf32, #tpu.memory_space<vmem>>) offsets(%dma_start3A_94 : memref<128xi32, #tpu.memory_space<vmem>>) semaphore(%arg13 : memref<!tpu.dma_semaphore, #tpu.memory_space<semaphore_mem>>)
        } else {
        }
      }
      %scan3A_58 = arith.constant 20 : i32
    }
    %barrier3A_31 = arith.constant 0 : index
    tpu.barrier barrier_id(%barrier3A_31)
    %mul3A_32 = arith.constant 640 : i32
    %mul3A_33 = arith.muli %arg1, %mul3A_32 : i32
    %mul3A_34 = arith.constant 640 : i32
    %mul3A_35 = arith.muli %arg1, %mul3A_34 : i32
    "tpu.region"() ({
      %run_scoped3A = tpu.sem_alloc : memref<!tpu.dma_semaphore, #tpu.memory_space<semaphore_mem>>
      %dma_start3A = arith.constant 0 : i32
      %dma_start3A_36 = tpu.memref_slice %arg6[%arg0, %mul3A_35, %dma_start3A] : memref<2x10240x128xf32, #tpu.memory_space<hbm>> -> memref<1x640x128xf32, #tpu.memory_space<hbm>>
      %dma_start3A_37 = tpu.memref_squeeze %dma_start3A_36 : memref<1x640x128xf32, #tpu.memory_space<hbm>> -> memref<640x128xf32, #tpu.memory_space<hbm>>
      %dma_start3A_38 = arith.constant 0 : i32
      %dma_start3A_39 = tpu.memref_slice %arg11[%mul3A_33, %dma_start3A_38] : memref<10240x128xf32, #tpu.memory_space<vmem_shared>> -> memref<640x128xf32, #tpu.memory_space<vmem_shared>>
      tpu.enqueue_dma source(%dma_start3A_39 : memref<640x128xf32, #tpu.memory_space<vmem_shared>>) target(%dma_start3A_37 : memref<640x128xf32, #tpu.memory_space<hbm>>) target_semaphore(%run_scoped3A : memref<!tpu.dma_semaphore, #tpu.memory_space<semaphore_mem>>)
      %dma_wait3A = arith.constant 0 : i32
      %dma_wait3A_40 = tpu.memref_slice %arg6[%arg0, %mul3A_35, %dma_wait3A] : memref<2x10240x128xf32, #tpu.memory_space<hbm>> -> memref<1x640x128xf32, #tpu.memory_space<hbm>>
      %dma_wait3A_41 = tpu.memref_squeeze %dma_wait3A_40 : memref<1x640x128xf32, #tpu.memory_space<hbm>> -> memref<640x128xf32, #tpu.memory_space<hbm>>
      %dma_wait3A_42 = arith.constant 0 : i32
      %dma_wait3A_43 = tpu.memref_slice %arg11[%mul3A_33, %dma_wait3A_42] : memref<10240x128xf32, #tpu.memory_space<vmem_shared>> -> memref<640x128xf32, #tpu.memory_space<vmem_shared>>
      tpu.wait_dma2 semaphore(%run_scoped3A : memref<!tpu.dma_semaphore, #tpu.memory_space<semaphore_mem>>) src(%dma_wait3A_43 : memref<640x128xf32, #tpu.memory_space<vmem_shared>>) dst(%dma_wait3A_41 : memref<640x128xf32, #tpu.memory_space<hbm>>)
      tpu.yield
    }) : () -> ()
    return
  }
}

#map = affine_map<(d0, d1) -> (0, 0)>
#map1 = affine_map<(d0, d1) -> (0)>
module attributes {stable_mosaic.version = 14 : i64} {
  func.func @_deg_body(%arg0: i32, %arg1: i32, %arg2: memref<2560x128xi32, #tpu.memory_space<hbm>>, %arg3: memref<128xf32, #tpu.memory_space<hbm>>, %arg4: memref<640xf32, #tpu.memory_space<hbm>>, %arg5: memref<2x10240xf32, #tpu.memory_space<hbm>>, %arg6: memref<80x128xi32, #tpu.memory_space<vmem>>, %arg7: memref<128xf32, #tpu.memory_space<vmem>>, %arg8: memref<10240xf32, #tpu.memory_space<vmem_shared>>) attributes {dimension_semantics = [#tpu.dimension_semantics<core_parallel>, #tpu.dimension_semantics<subcore_parallel>], iteration_bounds = array<i64: 2, 16>, scalar_prefetch = 0 : i64, scratch_operands = 3 : i64, tpu.core_type = #tpu.core_type<sc_vector_subcore>, window_params = [{transform_indices = #map}, {transform_indices = #map1}, {transform_indices = #map1}, {transform_indices = #map}]} {
    %mul3A = arith.constant 16 : i32
    %mul3A_0 = arith.muli %arg0, %mul3A : i32
    %add3A = arith.addi %mul3A_0, %arg1 : i32
    %mul3A_1 = arith.constant 80 : i32
    %mul3A_2 = arith.muli %add3A, %mul3A_1 : i32
    "tpu.region"() ({
      %run_scoped3A = tpu.sem_alloc : memref<!tpu.dma_semaphore, #tpu.memory_space<semaphore_mem>>
      %dma_start3A = arith.constant 0 : i32
      %dma_start3A_14 = tpu.memref_slice %arg2[%mul3A_2, %dma_start3A] : memref<2560x128xi32, #tpu.memory_space<hbm>> -> memref<80x128xi32, #tpu.memory_space<hbm>>
      %dma_start3A_15 = arith.constant 0 : i32
      %dma_start3A_16 = tpu.memref_slice %arg2[%mul3A_2, %dma_start3A_15] : memref<2560x128xi32, #tpu.memory_space<hbm>> -> memref<80x128xi32, #tpu.memory_space<hbm>>
      tpu.enqueue_dma source(%dma_start3A_16 : memref<80x128xi32, #tpu.memory_space<hbm>>) target(%arg6 : memref<80x128xi32, #tpu.memory_space<vmem>>) target_semaphore(%run_scoped3A : memref<!tpu.dma_semaphore, #tpu.memory_space<semaphore_mem>>)
      %dma_wait3A = arith.constant 0 : i32
      %dma_wait3A_17 = tpu.memref_slice %arg2[%mul3A_2, %dma_wait3A] : memref<2560x128xi32, #tpu.memory_space<hbm>> -> memref<80x128xi32, #tpu.memory_space<hbm>>
      %dma_wait3A_18 = arith.constant 0 : i32
      %dma_wait3A_19 = tpu.memref_slice %arg2[%mul3A_2, %dma_wait3A_18] : memref<2560x128xi32, #tpu.memory_space<hbm>> -> memref<80x128xi32, #tpu.memory_space<hbm>>
      tpu.wait_dma2 semaphore(%run_scoped3A : memref<!tpu.dma_semaphore, #tpu.memory_space<semaphore_mem>>) src(%dma_wait3A_19 : memref<80x128xi32, #tpu.memory_space<hbm>>) dst(%arg6 : memref<80x128xi32, #tpu.memory_space<vmem>>)
      tpu.yield
    }) : () -> ()
    "tpu.region"() ({
      %run_scoped3A = tpu.sem_alloc : memref<!tpu.dma_semaphore, #tpu.memory_space<semaphore_mem>>
      tpu.enqueue_dma source(%arg3 : memref<128xf32, #tpu.memory_space<hbm>>) target(%arg7 : memref<128xf32, #tpu.memory_space<vmem>>) target_semaphore(%run_scoped3A : memref<!tpu.dma_semaphore, #tpu.memory_space<semaphore_mem>>)
      tpu.wait_dma2 semaphore(%run_scoped3A : memref<!tpu.dma_semaphore, #tpu.memory_space<semaphore_mem>>) src(%arg3 : memref<128xf32, #tpu.memory_space<hbm>>) dst(%arg7 : memref<128xf32, #tpu.memory_space<vmem>>)
      tpu.yield
    }) : () -> ()
    %mul3A_3 = arith.constant 640 : i32
    %mul3A_4 = arith.muli %arg1, %mul3A_3 : i32
    "tpu.region"() ({
      %run_scoped3A = tpu.sem_alloc : memref<!tpu.dma_semaphore, #tpu.memory_space<semaphore_mem>>
      %dma_start3A = tpu.memref_slice %arg8[%mul3A_4] : memref<10240xf32, #tpu.memory_space<vmem_shared>> -> memref<640xf32, #tpu.memory_space<vmem_shared>>
      tpu.enqueue_dma source(%arg4 : memref<640xf32, #tpu.memory_space<hbm>>) target(%dma_start3A : memref<640xf32, #tpu.memory_space<vmem_shared>>) target_semaphore(%run_scoped3A : memref<!tpu.dma_semaphore, #tpu.memory_space<semaphore_mem>>)
      %dma_wait3A = tpu.memref_slice %arg8[%mul3A_4] : memref<10240xf32, #tpu.memory_space<vmem_shared>> -> memref<640xf32, #tpu.memory_space<vmem_shared>>
      tpu.wait_dma2 semaphore(%run_scoped3A : memref<!tpu.dma_semaphore, #tpu.memory_space<semaphore_mem>>) src(%arg4 : memref<640xf32, #tpu.memory_space<hbm>>) dst(%dma_wait3A : memref<640xf32, #tpu.memory_space<vmem_shared>>)
      tpu.yield
    }) : () -> ()
    %barrier3A = arith.constant 0 : index
    tpu.barrier barrier_id(%barrier3A)
    %scan3A = arith.constant 0 : i32
    %scan3A_5 = arith.constant 80 : i32
    %scan3A_6 = arith.addi %scan3A, %scan3A_5 : i32
    %scan3A_7 = arith.constant 1 : i32
    scf.for %scan3A_14 = %scan3A to %scan3A_6 step %scan3A_7  : i32 {
      %mul3A_15 = arith.constant 1 : i32
      %mul3A_16 = arith.muli %scan3A_14, %mul3A_15 : i32
      %add3A_17 = arith.constant 0 : i32
      %add3A_18 = arith.addi %add3A_17, %mul3A_16 : i32
      "tpu.region"() ({
        %run_scoped3A = tpu.sem_alloc : memref<!tpu.dma_semaphore, #tpu.memory_space<semaphore_mem>>
        %dma_start3A = arith.constant 0 : i32
        %dma_start3A_19 = tpu.memref_slice %arg6[%add3A_18, %dma_start3A] : memref<80x128xi32, #tpu.memory_space<vmem>> -> memref<1x128xi32, #tpu.memory_space<vmem>>
        %dma_start3A_20 = tpu.memref_squeeze %dma_start3A_19 : memref<1x128xi32, #tpu.memory_space<vmem>> -> memref<128xi32, #tpu.memory_space<vmem>>
        %dma_start3A_21 = arith.constant 0 : i32
        %dma_start3A_22 = tpu.memref_slice %arg8[%dma_start3A_21] : memref<10240xf32, #tpu.memory_space<vmem_shared>> -> memref<10240xf32, #tpu.memory_space<vmem_shared>>
        tpu.enqueue_indirect_dma source(%arg7 : memref<128xf32, #tpu.memory_space<vmem>>) target(%dma_start3A_22 : memref<10240xf32, #tpu.memory_space<vmem_shared>>) offsets(%dma_start3A_20 : memref<128xi32, #tpu.memory_space<vmem>>) semaphore(%run_scoped3A : memref<!tpu.dma_semaphore, #tpu.memory_space<semaphore_mem>>) {add = true}
        %dma_wait3A = arith.constant 0 : i32
        %dma_wait3A_23 = tpu.memref_slice %arg6[%add3A_18, %dma_wait3A] : memref<80x128xi32, #tpu.memory_space<vmem>> -> memref<1x128xi32, #tpu.memory_space<vmem>>
        %dma_wait3A_24 = tpu.memref_squeeze %dma_wait3A_23 : memref<1x128xi32, #tpu.memory_space<vmem>> -> memref<128xi32, #tpu.memory_space<vmem>>
        %dma_wait3A_25 = arith.constant 0 : i32
        %dma_wait3A_26 = tpu.memref_slice %arg8[%dma_wait3A_25] : memref<10240xf32, #tpu.memory_space<vmem_shared>> -> memref<10240xf32, #tpu.memory_space<vmem_shared>>
        tpu.wait_indirect_dma semaphore(%run_scoped3A : memref<!tpu.dma_semaphore, #tpu.memory_space<semaphore_mem>>) src(%arg7 : memref<128xf32, #tpu.memory_space<vmem>>) dst(%dma_wait3A_26 : memref<10240xf32, #tpu.memory_space<vmem_shared>>)
        tpu.yield
      }) : () -> ()
    }
    %scan3A_8 = arith.constant 80 : i32
    %barrier3A_9 = arith.constant 0 : index
    tpu.barrier barrier_id(%barrier3A_9)
    %mul3A_10 = arith.constant 640 : i32
    %mul3A_11 = arith.muli %arg1, %mul3A_10 : i32
    %mul3A_12 = arith.constant 640 : i32
    %mul3A_13 = arith.muli %arg1, %mul3A_12 : i32
    "tpu.region"() ({
      %run_scoped3A = tpu.sem_alloc : memref<!tpu.dma_semaphore, #tpu.memory_space<semaphore_mem>>
      %dma_start3A = tpu.memref_slice %arg5[%arg0, %mul3A_13] : memref<2x10240xf32, #tpu.memory_space<hbm>> -> memref<1x640xf32, #tpu.memory_space<hbm>>
      %dma_start3A_14 = tpu.memref_squeeze %dma_start3A : memref<1x640xf32, #tpu.memory_space<hbm>> -> memref<640xf32, #tpu.memory_space<hbm>>
      %dma_start3A_15 = tpu.memref_slice %arg8[%mul3A_11] : memref<10240xf32, #tpu.memory_space<vmem_shared>> -> memref<640xf32, #tpu.memory_space<vmem_shared>>
      tpu.enqueue_dma source(%dma_start3A_15 : memref<640xf32, #tpu.memory_space<vmem_shared>>) target(%dma_start3A_14 : memref<640xf32, #tpu.memory_space<hbm>>) target_semaphore(%run_scoped3A : memref<!tpu.dma_semaphore, #tpu.memory_space<semaphore_mem>>)
      %dma_wait3A = tpu.memref_slice %arg5[%arg0, %mul3A_13] : memref<2x10240xf32, #tpu.memory_space<hbm>> -> memref<1x640xf32, #tpu.memory_space<hbm>>
      %dma_wait3A_16 = tpu.memref_squeeze %dma_wait3A : memref<1x640xf32, #tpu.memory_space<hbm>> -> memref<640xf32, #tpu.memory_space<hbm>>
      %dma_wait3A_17 = tpu.memref_slice %arg8[%mul3A_11] : memref<10240xf32, #tpu.memory_space<vmem_shared>> -> memref<640xf32, #tpu.memory_space<vmem_shared>>
      tpu.wait_dma2 semaphore(%run_scoped3A : memref<!tpu.dma_semaphore, #tpu.memory_space<semaphore_mem>>) src(%dma_wait3A_17 : memref<640xf32, #tpu.memory_space<vmem_shared>>) dst(%dma_wait3A_16 : memref<640xf32, #tpu.memory_space<hbm>>)
      tpu.yield
    }) : () -> ()
    return
  }
}

module attributes {stable_mosaic.version = 14 : i64} {
  func.func @_linear_body(%arg0: i32, %arg1: memref<1024x128xf32, #tpu.memory_space<vmem>>, %arg2: memref<128x128xf32, #tpu.memory_space<vmem>>, %arg3: memref<2x1024xf32, #tpu.memory_space<vmem>>, %arg4: memref<1024x128xf32, #tpu.memory_space<vmem>>) attributes {dimension_semantics = [#tpu.dimension_semantics<arbitrary>], iteration_bounds = array<i64: 10>, scalar_prefetch = 0 : i64, scratch_operands = 0 : i64, tpu.core_type = #tpu.core_type<tc>, window_params = [{transform_indices = @transform_0, window_bounds = array<i64: 1024, 128>}, {pipeline_mode = #tpu.pipeline_mode<synchronous>, transform_indices = @transform_1, window_bounds = array<i64: 128, 128>}, {transform_indices = @transform_2, window_bounds = array<i64: 2, 1024>}, {transform_indices = @transform_3, window_bounds = array<i64: 1024, 128>}]} {
    %get3A = arith.constant 0 : index
    %get3A_0 = arith.constant 0 : index
    %get3A_1 = vector.load %arg3[%get3A, %get3A_0] : memref<2x1024xf32, #tpu.memory_space<vmem>>, vector<1x1024xf32>
    %get3A_2 = vector.shape_cast %get3A_1 : vector<1x1024xf32> to vector<1024xf32>
    %get3A_3 = arith.constant 1 : index
    %get3A_4 = arith.constant 0 : index
    %get3A_5 = vector.load %arg3[%get3A_3, %get3A_4] : memref<2x1024xf32, #tpu.memory_space<vmem>>, vector<1x1024xf32>
    %get3A_6 = vector.shape_cast %get3A_5 : vector<1x1024xf32> to vector<1024xf32>
    %add3A = arith.addf %get3A_2, %get3A_6 : vector<1024xf32>
    %add3A_7 = arith.constant 1.000000e+00 : f32
    %add3A_8 = vector.broadcast %add3A_7 : f32 to vector<1024xf32>
    %add3A_9 = arith.addf %add3A, %add3A_8 : vector<1024xf32>
    %rsqrt3A = math.rsqrt %add3A_9 : vector<1024xf32>
    %get3A_10 = arith.constant 0 : index
    %get3A_11 = arith.constant 0 : index
    %get3A_12 = vector.load %arg1[%get3A_10, %get3A_11] : memref<1024x128xf32, #tpu.memory_space<vmem>>, vector<1024x128xf32>
    %get3A_13 = arith.constant 0 : index
    %get3A_14 = arith.constant 0 : index
    %get3A_15 = vector.load %arg2[%get3A_13, %get3A_14] : memref<128x128xf32, #tpu.memory_space<vmem>>, vector<128x128xf32>
    %dot_general3A = arith.constant dense<0.000000e+00> : vector<1024x128xf32>
    %dot_general3A_16 = tpu.matmul %get3A_12, %get3A_15, %dot_general3A {dimension_numbers = #tpu.dot_dimension_numbers<[1], [0], [0], [1], [0, 0, 1, 1], [], []>, transpose_lhs_hint = false} : vector<1024x128xf32>, vector<128x128xf32>, vector<1024x128xf32> -> vector<1024x128xf32>
    %broadcast_in_dim3A = vector.shape_cast %rsqrt3A : vector<1024xf32> to vector<1024x1xf32>
    %mul3A = vector.broadcast %broadcast_in_dim3A : vector<1024x1xf32> to vector<1024x128xf32>
    %mul3A_17 = arith.mulf %dot_general3A_16, %mul3A : vector<1024x128xf32>
    %swap3A = arith.constant 0 : index
    %swap3A_18 = arith.constant 0 : index
    %swap3A_19 = vector.load %arg4[%swap3A, %swap3A_18] : memref<1024x128xf32, #tpu.memory_space<vmem>>, vector<1024x128xf32>
    tpu.vector_store %arg4[%swap3A, %swap3A_18], %mul3A_17 {strides = array<i32>} : memref<1024x128xf32, #tpu.memory_space<vmem>>, vector<1024x128xf32>,
    return
  }
  func.func @transform_0(%arg0: i32) -> (i32, i32) {
    %c0_i32 = arith.constant 0 : i32
    %c0_i32_0 = arith.constant 0 : i32
    return %arg0, %c0_i32 : i32, i32
  }
  func.func @transform_1(%arg0: i32) -> (i32, i32) {
    %c0_i32 = arith.constant 0 : i32
    %c0_i32_0 = arith.constant 0 : i32
    %c0_i32_1 = arith.constant 0 : i32
    return %c0_i32, %c0_i32_0 : i32, i32
  }
  func.func @transform_2(%arg0: i32) -> (i32, i32) {
    %c0_i32 = arith.constant 0 : i32
    %c0_i32_0 = arith.constant 0 : i32
    return %c0_i32, %arg0 : i32, i32
  }
  func.func @transform_3(%arg0: i32) -> (i32, i32) {
    %c0_i32 = arith.constant 0 : i32
    %c0_i32_0 = arith.constant 0 : i32
    return %arg0, %c0_i32 : i32, i32
  }
}

module attributes {stable_mosaic.version = 14 : i64} {
  func.func @_combine_body(%arg0: i32, %arg1: memref<2x1024x128xf32, #tpu.memory_space<vmem>>, %arg2: memref<1024x128xf32, #tpu.memory_space<vmem>>, %arg3: memref<2x1024xf32, #tpu.memory_space<vmem>>, %arg4: memref<128xf32, #tpu.memory_space<vmem>>, %arg5: memref<128xf32, #tpu.memory_space<vmem>>, %arg6: memref<1024x128xf32, #tpu.memory_space<vmem>>) attributes {dimension_semantics = [#tpu.dimension_semantics<arbitrary>], iteration_bounds = array<i64: 10>, scalar_prefetch = 0 : i64, scratch_operands = 0 : i64, tpu.core_type = #tpu.core_type<tc>, window_params = [{transform_indices = @transform_0, window_bounds = array<i64: 2, 1024, 128>}, {transform_indices = @transform_1, window_bounds = array<i64: 1024, 128>}, {transform_indices = @transform_2, window_bounds = array<i64: 2, 1024>}, {pipeline_mode = #tpu.pipeline_mode<synchronous>, transform_indices = @transform_3, window_bounds = array<i64: 128>}, {pipeline_mode = #tpu.pipeline_mode<synchronous>, transform_indices = @transform_4, window_bounds = array<i64: 128>}, {transform_indices = @transform_5, window_bounds = array<i64: 1024, 128>}]} {
    %get3A = arith.constant 0 : index
    %get3A_0 = arith.constant 0 : index
    %get3A_1 = arith.constant 0 : index
    %get3A_2 = vector.load %arg1[%get3A, %get3A_0, %get3A_1] : memref<2x1024x128xf32, #tpu.memory_space<vmem>>, vector<1x1024x128xf32>
    %get3A_3 = vector.shape_cast %get3A_2 : vector<1x1024x128xf32> to vector<1024x128xf32>
    %get3A_4 = arith.constant 1 : index
    %get3A_5 = arith.constant 0 : index
    %get3A_6 = arith.constant 0 : index
    %get3A_7 = vector.load %arg1[%get3A_4, %get3A_5, %get3A_6] : memref<2x1024x128xf32, #tpu.memory_space<vmem>>, vector<1x1024x128xf32>
    %get3A_8 = vector.shape_cast %get3A_7 : vector<1x1024x128xf32> to vector<1024x128xf32>
    %add3A = arith.addf %get3A_3, %get3A_8 : vector<1024x128xf32>
    %get3A_9 = arith.constant 0 : index
    %get3A_10 = arith.constant 0 : index
    %get3A_11 = vector.load %arg2[%get3A_9, %get3A_10] : memref<1024x128xf32, #tpu.memory_space<vmem>>, vector<1024x128xf32>
    %add3A_12 = arith.addf %add3A, %get3A_11 : vector<1024x128xf32>
    %get3A_13 = arith.constant 0 : index
    %get3A_14 = arith.constant 0 : index
    %get3A_15 = vector.load %arg3[%get3A_13, %get3A_14] : memref<2x1024xf32, #tpu.memory_space<vmem>>, vector<1x1024xf32>
    %get3A_16 = vector.shape_cast %get3A_15 : vector<1x1024xf32> to vector<1024xf32>
    %get3A_17 = arith.constant 1 : index
    %get3A_18 = arith.constant 0 : index
    %get3A_19 = vector.load %arg3[%get3A_17, %get3A_18] : memref<2x1024xf32, #tpu.memory_space<vmem>>, vector<1x1024xf32>
    %get3A_20 = vector.shape_cast %get3A_19 : vector<1x1024xf32> to vector<1024xf32>
    %add3A_21 = arith.addf %get3A_16, %get3A_20 : vector<1024xf32>
    %add3A_22 = arith.constant 1.000000e+00 : f32
    %add3A_23 = vector.broadcast %add3A_22 : f32 to vector<1024xf32>
    %add3A_24 = arith.addf %add3A_21, %add3A_23 : vector<1024xf32>
    %rsqrt3A = math.rsqrt %add3A_24 : vector<1024xf32>
    %broadcast_in_dim3A = vector.shape_cast %rsqrt3A : vector<1024xf32> to vector<1024x1xf32>
    %mul3A = vector.broadcast %broadcast_in_dim3A : vector<1024x1xf32> to vector<1024x128xf32>
    %mul3A_25 = arith.mulf %add3A_12, %mul3A : vector<1024x128xf32>
    %get3A_26 = arith.constant 0 : index
    %get3A_27 = vector.load %arg4[%get3A_26] : memref<128xf32, #tpu.memory_space<vmem>>, vector<128xf32>
    %broadcast_in_dim3A_28 = vector.shape_cast %get3A_27 : vector<128xf32> to vector<1x128xf32>
    %add3A_29 = vector.broadcast %broadcast_in_dim3A_28 : vector<1x128xf32> to vector<1024x128xf32>
    %add3A_30 = arith.addf %mul3A_25, %add3A_29 : vector<1024x128xf32>
    %ge3A = arith.constant 0.000000e+00 : f32
    %ge3A_31 = vector.broadcast %ge3A : f32 to vector<1024x128xf32>
    %ge3A_32 = arith.cmpf oge, %add3A_30, %ge3A_31 : vector<1024x128xf32>
    %get3A_33 = arith.constant 0 : index
    %get3A_34 = vector.load %arg5[%get3A_33] : memref<128xf32, #tpu.memory_space<vmem>>, vector<128xf32>
    %broadcast_in_dim3A_35 = vector.shape_cast %get3A_34 : vector<128xf32> to vector<1x128xf32>
    %mul3A_36 = vector.broadcast %broadcast_in_dim3A_35 : vector<1x128xf32> to vector<1024x128xf32>
    %mul3A_37 = arith.mulf %mul3A_36, %add3A_30 : vector<1024x128xf32>
    %select_n3A = arith.select %ge3A_32, %add3A_30, %mul3A_37 : vector<1024x128xi1>, vector<1024x128xf32>
    %swap3A = arith.constant 0 : index
    %swap3A_38 = arith.constant 0 : index
    %swap3A_39 = vector.load %arg6[%swap3A, %swap3A_38] : memref<1024x128xf32, #tpu.memory_space<vmem>>, vector<1024x128xf32>
    tpu.vector_store %arg6[%swap3A, %swap3A_38], %select_n3A {strides = array<i32>} : memref<1024x128xf32, #tpu.memory_space<vmem>>, vector<1024x128xf32>,
    return
  }
  func.func @transform_0(%arg0: i32) -> (i32, i32, i32) {
    %c0_i32 = arith.constant 0 : i32
    %c0_i32_0 = arith.constant 0 : i32
    %c0_i32_1 = arith.constant 0 : i32
    return %c0_i32, %arg0, %c0_i32_0 : i32, i32, i32
  }
  func.func @transform_1(%arg0: i32) -> (i32, i32) {
    %c0_i32 = arith.constant 0 : i32
    %c0_i32_0 = arith.constant 0 : i32
    return %arg0, %c0_i32 : i32, i32
  }
  func.func @transform_2(%arg0: i32) -> (i32, i32) {
    %c0_i32 = arith.constant 0 : i32
    %c0_i32_0 = arith.constant 0 : i32
    return %c0_i32, %arg0 : i32, i32
  }
  func.func @transform_3(%arg0: i32) -> i32 {
    %c0_i32 = arith.constant 0 : i32
    %c0_i32_0 = arith.constant 0 : i32
    return %c0_i32 : i32
  }
  func.func @transform_4(%arg0: i32) -> i32 {
    %c0_i32 = arith.constant 0 : i32
    %c0_i32_0 = arith.constant 0 : i32
    return %c0_i32 : i32
  }
  func.func @transform_5(%arg0: i32) -> (i32, i32) {
    %c0_i32 = arith.constant 0 : i32
    %c0_i32_0 = arith.constant 0 : i32
    return %arg0, %c0_i32 : i32, i32
  }
}

</mosaic_0001>

<sc_bundles>
// kernel: kernel.6.cloned.1.call-start
scs
__scs_entry_jumppad:
0x0: {  	(pc) =	sbr.rel $0x88, $3  }
0x1: {  	(tag) =	ssettag $0x0;
	lr =	simm.s32 $0x1  }
0x2: {  	[smem:$0x3F9C] =	sst lr;
	_ =	strace $0xD0000000  }
0x3: {  	_ = 	snop  }
0x4: {  	_ = 	snop  }
0x5: {  	_ = 	snop  }
0x6: {  	_ = 	snop  }
0x7: {  	_ = 	snop  }
__scs_overlays_trampoline_lowered:
0x8: {  	[smem:$0x3FAB] =	sst s0  }
0x9: {  	[smem:$0x3FAC] =	sst s1  }
0xa: {  	[smem:$0x3FAD] =	sst s2  }
0xb: {  	[smem:$0x3FAE] =	sst s3  }
0xc: {  	[smem:$0x3FAF] =	sst s4  }
0xd: {  	[smem:$0x3FB0] =	sst s5  }
0xe: {  	[smem:$0x3FB1] =	sst s6  }
0xf: {  	[smem:$0x3FB2] =	sst s7  }
0x10: {  	[smem:$0x3FB3] =	sst s8  }
0x11: {  	[smem:$0x3FB4] =	sst s9;
	s0 =	simm.s32 @!p0 $0x0  }
0x12: {  	s1 =	sld [smem:$0x3F9A];
	s0 =	simm.s32 @p0 $0x1  }
0x13: {  	[smem:$0x3FB5] =	sst s0;
	s0 =	simm.s32 @!p1 $0x0  }
0x14: {  	s2 =	sld [smem:$0x3F99];
	s0 =	simm.s32 @p1 $0x1  }
0x15: {  	[smem:$0x3FB6] =	sst s0;
	s0 =	simm.s32 @!p2 $0x0  }
0x16: {  	s3 =	sld [smem:$0x3FDB];
	s0 =	simm.s32 @p2 $0x1  }
0x17: {  	s4 =	simm.s32 $0x1BF5;
	[smem:$0x3FB8] =	sst s0  }
0x18: {  	s0 =	sld [smem:$0x3F9B];
	_ =	swait.ge [sflag:s4], $0x0  }
0x19: {  	s7 =	sld [smem:$0x3F9C]  }
0x1a: {  	s8 =	sadd.s32 $0xFFFFE003, lr  }
0x1b: {  	s9 =	sadd.s32 $0xFFFFFEF7, lr;
	s5 =	simm.s32 $0xFFFFFFFF;
	p2 =	slt.u32 s8, $0xFFFFF086  }
0x1c: {  	p1 =	slt.u32 s9, $0xF7A;
	s5 =	simm.s32 @!p2 $0x0  }
0x1d: {  	s5 =	simm.s32 @p1 $0x1;
	p0 =	seq.s32 s7, s2  }
0x1e: {  	s7 =	smul.u32 @!p0 $0xF7A, s2;
	p2 =	seq.s32 @!p0 s5, $0x0  }
0x1f: {  	s9 =	smul.u32 $0xF7A, s1;
	s8 =	simm.s32 @!p0 $0x1BF5;
	p2 =	por !p2, p0  }
0x20: {  	[sflag:s8] =	ssyncset.s32 @!p0 $0xFFFFF086;
	s6 =	sadd.s32 @!p0 s3, s7;
	s7 =	simm.s32 @!p0 $0x108  }
0x21: {  	s3 =	sadd.s32 s3, s9;
	s6 =	sadd.s32 @!p0 $0x88, s6;
	s7 =	simm.s32 @p2 $0x1082  }
0x22: {  	[simem:s7], [sflag:s8] =	dma.local @!p0 [hbm:s6], $0xF7A  }
0x23: {  	s9 =	sor.u32 $0xD0000000, s2;
	s6 =	simm.s32 $0x108;
	_ =	swait.ge @!p0 [sflag:s8], $0x0  }
0x24: {  	s3 =	sadd.s32 $0x88, s3;
	s6 =	simm.s32 @!p1 $0x1082;
	[sflag:s4] =	ssyncset.s32 $0xFFFFF086  }
0x25: {  	[simem:s6], [sflag:s4] =	dma.local [hbm:s3], $0xF7A  }
0x26: {  	[smem:$0x3F9C] =	sst s1;
	(tag) =	ssettag s2;
	_ =	strace s9  }
0x27: {  	s1 =	sld [smem:$0x3FAC]  }
0x28: {  	s2 =	sld [smem:$0x3FAD]  }
0x29: {  	s4 =	sld [smem:$0x3FAF]  }
0x2a: {  	p0 =	seq.s32 s5, $0x0;
	s5 =	sld [smem:$0x3FB0]  }
0x2b: {  	s6 =	sld [smem:$0x3FB1]  }
0x2c: {  	s7 =	sld [smem:$0x3FB2]  }
0x2d: {  	s3 =	simm.s32 $0x108;
	s8 =	sld [smem:$0x3FB3]  }
0x2e: {  	s3 =	simm.s32 @!p0 $0x1082;
	s9 =	sld [smem:$0x3FB4]  }
0x2f: {  	lr =	sadd.s32 s0, s3;
	s0 =	sld [smem:$0x3FAB]  }
0x30: {  	s3 =	sld [smem:$0x3FAE]  }
0x31: {  	[smem:$0x3FB7] =	sst s10  }
0x32: {  	s10 =	sld [smem:$0x3FB5];
	_ =	sdelay $0x3  }
0x33: {  	p0 =	seq.s32 s10, $0x1;
	s10 =	sld [smem:$0x3FB7];
	_ =	sdelay $0x3  }
0x34: {  	[smem:$0x3FB7] =	sst s10  }
0x35: {  	s10 =	sld [smem:$0x3FB6];
	_ =	sdelay $0x3  }
0x36: {  	p1 =	seq.s32 s10, $0x1;
	s10 =	sld [smem:$0x3FB7];
	_ =	sdelay $0x3  }
0x37: {  	[smem:$0x3FB7] =	sst s10  }
0x38: {  	s10 =	sld [smem:$0x3FB8]  }
0x39: {  	_ = 	snop;
	(pc) =	sbr.ind lr, $3  }
0x3a: {  	_ = 	snop  }
0x3b: {  	_ = 	snop  }
0x3c: {  	p2 =	seq.s32 s10, $0x1;
	s10 =	sld [smem:$0x3FB7]  }
0x3d: {  	_ =	shalt  }
0x3e: {  	_ =	shalt  }
0x3f: {  	_ =	shalt  }
0x40: {  	_ =	shalt  }
0x41: {  	_ =	shalt  }
0x42: {  	_ =	shalt  }
0x43: {  	_ =	shalt  }
0x44: {  	_ =	shalt  }
0x45: {  	_ =	shalt  }
0x46: {  	_ =	shalt  }
0x47: {  	_ =	shalt  }
0x48: {  	_ =	shalt  }
0x49: {  	_ =	shalt  }
0x4a: {  	_ =	shalt  }
0x4b: {  	_ =	shalt  }
0x4c: {  	_ =	shalt  }
0x4d: {  	_ =	shalt  }
0x4e: {  	_ =	shalt  }
0x4f: {  	_ =	shalt  }
0x50: {  	_ =	shalt  }
0x51: {  	_ =	shalt  }
0x52: {  	_ =	shalt  }
0x53: {  	_ =	shalt  }
0x54: {  	_ =	shalt  }
0x55: {  	_ =	shalt  }
0x56: {  	_ =	shalt  }
0x57: {  	_ =	shalt  }
0x58: {  	_ =	shalt  }
0x59: {  	_ =	shalt  }
0x5a: {  	_ =	shalt  }
0x5b: {  	_ =	shalt  }
0x5c: {  	_ =	shalt  }
0x5d: {  	_ =	shalt  }
0x5e: {  	_ =	shalt  }
0x5f: {  	_ =	shalt  }
0x60: {  	_ =	shalt  }
0x61: {  	_ =	shalt  }
0x62: {  	_ =	shalt  }
0x63: {  	_ =	shalt  }
0x64: {  	_ =	shalt  }
0x65: {  	_ =	shalt  }
0x66: {  	_ =	shalt  }
0x67: {  	_ =	shalt  }
0x68: {  	_ =	shalt  }
0x69: {  	_ =	shalt  }
0x6a: {  	_ =	shalt  }
0x6b: {  	_ =	shalt  }
0x6c: {  	_ =	shalt  }
0x6d: {  	_ =	shalt  }
0x6e: {  	_ =	shalt  }
0x6f: {  	_ =	shalt  }
0x70: {  	_ =	shalt  }
0x71: {  	_ =	shalt  }
0x72: {  	_ =	shalt  }
0x73: {  	_ =	shalt  }
0x74: {  	_ =	shalt  }
0x75: {  	_ =	shalt  }
0x76: {  	_ =	shalt  }
0x77: {  	_ =	shalt  }
0x78: {  	_ =	shalt  }
0x79: {  	_ =	shalt  }
0x7a: {  	_ =	shalt  }
0x7b: {  	_ =	shalt  }
0x7c: {  	_ =	shalt  }
0x7d: {  	_ =	shalt  }
0x7e: {  	_ =	shalt  }
0x7f: {  	_ =	shalt  }
0x80: {  	_ =	shalt  }
0x81: {  	_ =	shalt  }
0x82: {  	_ =	shalt  }
0x83: {  	_ =	shalt  }
0x84: {  	_ =	shalt  }
0x85: {  	_ =	shalt  }
0x86: {  	_ =	shalt  }
0x87: {  	_ =	shalt  }
.Lfunc_end0:
.L_simem_size_0:
called_computation_lowered:
.L_overlay_start_0:
0x88: {  	s2 =	sld [smem:$0x3FD9]  }
0x89: {  	s3 =	sld [smem:$0x3FFE];
	_ =	sdelay $0x1  }
0x8a: {  	s1 =	srdreg.scid  }
0x8b: {  	s0 =	sand.u32 $0x1, s1  }
0x8c: {  	s16 =	sshll.u32 s0, $0xA;
	s2 =	sadd.s32 s3, s2  }
0x8d: {  	s2 =	sadd.s32 s2, s16  }
0x8e: {  	[smem:$0x3FC3] =	sst s2  }
0x8f: {  	_ = 	snop  }
0x90: {  	(tm) =	ssettm $0x1  }
0x91: {  	s17 =	sld [smem:$0x3FFB];
	_ =	sdelay $0x3  }
0x92: {  	_ =	strace s17  }
0x93: {  	s2 =	sld [smem:$0x3FFC];
	_ =	sdelay $0x3  }
0x94: {  	_ =	strace s2  }
0x95: {  	s2 =	sld [smem:$0x3FFD];
	_ =	sdelay $0x3  }
0x96: {  	_ =	strace s2  }
0x97: {  	_ =	strace $0x8FFFFFFF  }
0x98: {  	s18 =	sld [smem:$0x3FDB];
	_ =	sdelay $0x1  }
0x99: {  	s19 =	simm.s32 $_scs_section_size  }
0x9a: {  	s4 =	simm.s32 $_size__tile_overlayer_lowered;
	s5 =	simm.s32 $_tile_overlayer_lowered  }
0x9b: {  	s22 =	simm.s32 $0x1BFF;
	s21 =	sshll.u32 s5, $0x1;
	s2 =	sadd.s32 s19, s18  }
0x9c: {  	s6 =	simm.s32 $0x0;
	s20 =	sshll.u32 s4, $0x1;
	s4 =	sadd.s32 s21, s2  }
0x9d: {  	[timem:s6], [sflag:s22] =	dma.local [hbm:s4], s20  }
0x9e: {  	_ =	swait.ge [sflag:s22], s20  }
0x9f: {  	s3 =	ssub.s32 $0x0, s20;
	[sflag:s22] =	ssyncset.done $0x0  }
0xa0: {  	[sflag:s22] =	ssyncadd.s32 s3;
	_ =	sdelay $0x1  }
0xa1: {  	s23 =	simm.s32 $0x1B8B  }
0xa2: {  	_ =	swait.ge [sflag:s23], $0x1  }
0xa3: {  	[sflag:s23] =	ssyncset.done $0x0  }
0xa4: {  	s25 =	simm.s32 $0x1B8E;
	s24 =	sld [smem:$0x3FFE];
	[sflag:s23] =	ssyncadd.s32 $0xFFFFFFFF  }
0xa5: {  	s26 =	simm.s32 $execute0_lowered;
	[smem:$0x3FD2] =	sst s25  }
0xa6: {  	s4 =	sshll.u32 s26, $0x1;
	_ =	strace $0x80000046;
	[dreg:$0x1] =	wrdreg $0xFFFFFFFF  }
0xa7: {  	s28 =	simm.s32 $_size_execute0_lowered;
	s2 =	sadd.s32 s2, s4;
	[dreg:$0x0] =	wrdreg $0x0  }
0xa8: {  	s4 =	sshll.u32 s28, $0x1;
	[dreg:$0x2] =	wrdreg s2  }
0xa9: {  	[dreg:$0x3] =	wrdreg s4  }
0xaa: {  	[dreg:$0x4] =	wrdreg $0xC0  }
0xab: {  	_ =	task [dreg:s6], $0x5FFFF  }
0xac: {  	[dreg:$0x1] =	wrdreg $0xFFFFFFFF  }
0xad: {  	[dreg:$0x0] =	wrdreg $0x60  }
0xae: {  	[dreg:$0x2] =	wrdreg s24  }
0xaf: {  	[dreg:$0x3] =	wrdreg $0x28800  }
0xb0: {  	[dreg:$0x4] =	wrdreg $0x9  }
0xb1: {  	_ =	task.clear_ibuf [dreg:s6], $0x5FFFF;
	_ =	strace $0x90000046  }
0xb2: {  	s29 =	simm.s32 $0x9;
	_ =	strace $0x80000048  }
0xb3: {  	_ =	swait.ge [sflag:s29], $0x1  }
0xb4: {  	[sflag:s29] =	ssyncadd.s32 $0xFFFFFFFF  }
0xb5: {  	_ =	strace $0x90000048  }
0xb6: {  	_ =	sfence  }
0xb7: {  	s30 =	sld [smem:$0x0];
	_ =	sdelay $0x2  }
0xb8: {  	s31 =	sshll.u32 s1, $0xD;
	s1 =	sshrl.u32 s1, $0x2  }
0xb9: {  	s3 =	sand.u32 $0x4000, s31;
	s1 =	sadd.s32 s1, s30  }
0xba: {  	s0 =	sor.u32 s3, s0;
	s1 =	sshll.u32 s1, $0x11  }
0xbb: {  	s0 =	sor.u32 s1, s0  }
0xbc: {  	s0 =	sadd.s32 $0x8F2B, s0  }
0xbd: {  	[sflag:s0] =	ssyncadd.remote.s32 $0x1  }
0xbe: {  	_ =	sfence.sel $0xFFFF  }
0xbf: {  	[dreg:$0x0] =	wrdreg $0xFFFFFFFF;
	(pc) =	sbr.abs _section_cstart, $3  }
0xc0: {  	[dreg:$0x1] =	wrdreg $0xFFFFFFFF  }
0xc1: {  	_ =	task.clear_ibuf [dreg:s6], $0x2FFFF;
	_ =	strace $0x9FFFFFFF  }
0xc2: {  	(tm) =	ssettm $0x7FFFFFFF  }
0xc3: {  	_ =	shalt  }
tec
execute0_lowered:
.L_overlay_start_1:
0x0: {  	(tag) =	ssettag $0x1  }
0x1: {  	s0 =	srdreg.scid;
	s6 =	rddreg [dreg:$0x0]  }
0x2: {  	s2 =	rddreg [dreg:$0x1];
	s3 =	simm.s32 $0x0;
	s13 =	simm.s32 $0x80  }
0x3: {  	s14 =	simm.s32 $0x20;
	s15 =	simm.s32 $0x10;
	s16 =	simm.s32 $0x0  }
0x4: {  	s5 =	sand.u32 $0x1, s0;
	s0 =	stileid.u32;
	[smem:$0x7FF] =	sst s3  }
0x5: {  	s1 =	sshll.u32 s5, $0x4;
	s7 =	smul.u32 $0x500, s0;
	s8 =	sshll.u32 s5, $0x7  }
0x6: {  	s29 =	ssub.s32 $0x2, s5;
	s10 =	smul.u32 $0xA00, s0;
	s5 =	sadd.s32 $0xBA00, s6  }
0x7: {  	s11 =	sshll.u32 s0, $0x6;
	s4 =	sor.u32 s0, s1;
	s1 =	rddreg [dreg:$0x2]  }
0x8: {  	_ =	strace $0x80000047;
	s30 =	sshrl.u32 s29, $0x1;
	s11 =	sor.u32 $0x1C01, s11  }
0x9: {  	s4 =	smul.u32 $0x500, s4;
	s7 =	sor.u32 s8, s7;
	s8 =	ssub.s32 s29, s30  }
0xa: {  	s31 =	sshrl.u32 s10, $0x2;
	s10 =	simm.s32 $0x2800;
	s7 =	sshrl.u32 s7, $0x3  }
0xb: {  	s12 =	sadd.s32 s31, s2;
	s8 =	smax.u32 s8, $0x1;
	s9 =	sadd.s32 s4, s6  }
0xc: {  	s4 =	sadd.s32 $0xB800, s6;
	s7 =	sadd.s32 s7, s6;
	s12 =	sshrl.u32 s12, $0x3  }
0xd: {  	s6 =	sadd.s32 $0x1800, s9;
	s7 =	sadd.s32 $0xBC00, s7;
	s9 =	simm.s32 $0x1  }
.LBB2_1:
0xe: {  	[tilespmem:s3], [sflag:$0x1] =	stream.linear.gather [hbm4b:s6+s3], $0x2800, $0x38;
	[tilespmem:$0x2B00] =	vst v63  }
0xf: {  	_ =	swait.ge [sflag:s9], $0x2800  }
0x10: {  	[sflag:s9] =	ssyncset.done $0x0  }
0x11: {  	[sflag:s9] =	ssyncadd.s32 $0xFFFFD800  }
0x12: {  	[tilespmem:s10], [sflag:$0x1] =	stream.linear.gather [hbm4b:s4+s3], $0x80, $0x38;
	[tilespmem:$0x2B00] =	vst v63  }
0x13: {  	_ =	swait.ge [sflag:s9], $0x80  }
0x14: {  	[sflag:s9] =	ssyncset.done $0x0  }
0x15: {  	[sflag:s9] =	ssyncadd.s32 $0xFFFFFF80  }
0x16: {  	[spmem:s12], [sflag:s11] =	dma.local [hbm:s5], $0x50  }
0x17: {  	_ =	swait.ge [sflag:s9], $0x50  }
0x18: {  	[sflag:s9] =	ssyncset.done $0x0  }
0x19: {  	[sflag:s9] =	ssyncadd.s32 $0xFFFFFFB0  }
0x1a: {  	s17 =	simm.s32 $0x0;
	[bflag:$0x0] =	sbarrier.arrive $0xFFFF  }
0x1b: {  	[spmem:s2] =	stream.indirect.scatter.add.f32 [tilespmem:s10], [sflag:$0x1], $0x1, s17, s13, $0xb8;
	[tilespmem:$0x2B00] =	vst v63  }
0x1c: {  	_ =	swait.ge [sflag:s9], $0x80  }
0x1d: {  	s17 =	simm.s32 $0x200;
	[sflag:s9] =	ssyncset.done $0x0  }
.LBB2_2:
0x1e: {  	s18 =	sshra.s32 s17, $0x2;
	[sflag:s9] =	ssyncadd.s32 $0xFFFFFF80;
	p0 =	sne.s32 s17, $0x9E00  }
0x1f: {  	[spmem:s2] =	stream.indirect.scatter.add.f32 [tilespmem:s10], [sflag:$0x1], $0x1, s18, s13, $0xb8;
	[tilespmem:$0x2B00] =	vst v63  }
.Ltmp0:
0x20: {  	_ = 	snop;
	(pc) =	sbr.rel @p0 .LBB2_2-.Ltmp0, $4  }
0x21: {  	_ = 	snop  }
0x22: {  	s17 =	sadd.s32 $0x200, s17  }
0x23: {  	_ =	swait.ge [sflag:s9], $0x80  }
0x24: {  	[sflag:s9] =	ssyncset.done $0x0  }
0x25: {  	s16 =	sadd.s32 $0x1, s16  }
0x26: {  	[sflag:s9] =	ssyncadd.s32 $0xFFFFFF80;
	p0 =	sne.s32 s16, s8  }
.Ltmp1:
0x27: {  	[bflag:$0x0] =	sbarrier.arrive $0xFFFF;
	(pc) =	sbr.rel @p0 .LBB2_1-.Ltmp1, $4  }
0x28: {  	[hbm:s7@s14], [sflag:s11] =	dma.strided [spmem:s12@s15], $0x50, s9, $0x10   }
0x29: {  	_ =	swait.ge [sflag:s9], $0x50  }
0x2a: {  	[sflag:s9] =	ssyncset.done $0x0  }
0x2b: {  	[sflag:s9] =	ssyncadd.s32 $0xFFFFFFB0  }
0x2c: {  	_ =	sfence.sel $0x180000  }
0x2d: {  	[bflag:$0x0] =	sbarrier.arrive $0xFFFF  }
0x2e: {  	p0 =	sne.s32 s0, $0x0;
	_ =	strace $0x90000047  }
0x2f: {  	s0 =	sadd.s32 @!p0 $0x100000, s1;
	[bflag:$0x2] =	sbarrier.arrive $0xFFFF  }
0x30: {  	[sflag:s0] =	ssyncadd.tile.s32 @!p0 $0x1;
	_ =	shalt  }
.Lfunc_end2:
_tile_overlayer_lowered:
.L_overlay_start_2:
0x31: {  	(tag) =	ssettag $0x2  }
0x32: {  	s0 =	rddreg [dreg:$0x0];
	s2 =	stileid.u32  }
0x33: {  	s1 =	rddreg [dreg:$0x1];
	p0 =	sne.s32 s2, $0x0  }
0x34: {  	s3 =	rddreg [dreg:$0x2];
	[bflag:$0x3] =	sbarrier.arrive $0xFFFF;
	s2 =	simm.s32 @!p0 $0x1C01  }
0x35: {  	[timem:s3], [sflag:s2] =	dma.local @!p0 [hbm:s0], s1  }
0x36: {  	s0 =	simm.s32 @!p0 $0x1  }
0x37: {  	_ =	swait.ge @!p0 [sflag:s0], s1  }
0x38: {  	s1 =	ssub.s32 @!p0 $0x0, s1;
	[sflag:s0] =	ssyncset.done @!p0 $0x0  }
0x39: {  	[sflag:s0] =	ssyncadd.s32 @!p0 s1  }
0x3a: {  	[bflag:$0x3] =	sbarrier.arrive $0xFFFF  }
0x3b: {  	_ =	shalt  }

// kernel: kernel.9.cloned.1.call-start
scs
__scs_entry_jumppad:
0x0: {  	(pc) =	sbr.rel $0x88, $3  }
0x1: {  	(tag) =	ssettag $0x0;
	lr =	simm.s32 $0x1  }
0x2: {  	[smem:$0x3F9C] =	sst lr;
	_ =	strace $0xD0000000  }
0x3: {  	_ = 	snop  }
0x4: {  	_ = 	snop  }
0x5: {  	_ = 	snop  }
0x6: {  	_ = 	snop  }
0x7: {  	_ = 	snop  }
__scs_overlays_trampoline_lowered:
0x8: {  	[smem:$0x3FAB] =	sst s0  }
0x9: {  	[smem:$0x3FAC] =	sst s1  }
0xa: {  	[smem:$0x3FAD] =	sst s2  }
0xb: {  	[smem:$0x3FAE] =	sst s3  }
0xc: {  	[smem:$0x3FAF] =	sst s4  }
0xd: {  	[smem:$0x3FB0] =	sst s5  }
0xe: {  	[smem:$0x3FB1] =	sst s6  }
0xf: {  	[smem:$0x3FB2] =	sst s7  }
0x10: {  	[smem:$0x3FB3] =	sst s8  }
0x11: {  	[smem:$0x3FB4] =	sst s9;
	s0 =	simm.s32 @!p0 $0x0  }
0x12: {  	s1 =	sld [smem:$0x3F9A];
	s0 =	simm.s32 @p0 $0x1  }
0x13: {  	[smem:$0x3FB5] =	sst s0;
	s0 =	simm.s32 @!p1 $0x0  }
0x14: {  	s2 =	sld [smem:$0x3F99];
	s0 =	simm.s32 @p1 $0x1  }
0x15: {  	[smem:$0x3FB6] =	sst s0;
	s0 =	simm.s32 @!p2 $0x0  }
0x16: {  	s3 =	sld [smem:$0x3FDB];
	s0 =	simm.s32 @p2 $0x1  }
0x17: {  	s4 =	simm.s32 $0x1BF5;
	[smem:$0x3FB8] =	sst s0  }
0x18: {  	s0 =	sld [smem:$0x3F9B];
	_ =	swait.ge [sflag:s4], $0x0  }
0x19: {  	s7 =	sld [smem:$0x3F9C]  }
0x1a: {  	s8 =	sadd.s32 $0xFFFFE003, lr  }
0x1b: {  	s9 =	sadd.s32 $0xFFFFFEF7, lr;
	s5 =	simm.s32 $0xFFFFFFFF;
	p2 =	slt.u32 s8, $0xFFFFF086  }
0x1c: {  	p1 =	slt.u32 s9, $0xF7A;
	s5 =	simm.s32 @!p2 $0x0  }
0x1d: {  	s5 =	simm.s32 @p1 $0x1;
	p0 =	seq.s32 s7, s2  }
0x1e: {  	s7 =	smul.u32 @!p0 $0xF7A, s2;
	p2 =	seq.s32 @!p0 s5, $0x0  }
0x1f: {  	s9 =	smul.u32 $0xF7A, s1;
	s8 =	simm.s32 @!p0 $0x1BF5;
	p2 =	por !p2, p0  }
0x20: {  	[sflag:s8] =	ssyncset.s32 @!p0 $0xFFFFF086;
	s6 =	sadd.s32 @!p0 s3, s7;
	s7 =	simm.s32 @!p0 $0x108  }
0x21: {  	s3 =	sadd.s32 s3, s9;
	s6 =	sadd.s32 @!p0 $0x88, s6;
	s7 =	simm.s32 @p2 $0x1082  }
0x22: {  	[simem:s7], [sflag:s8] =	dma.local @!p0 [hbm:s6], $0xF7A  }
0x23: {  	s9 =	sor.u32 $0xD0000000, s2;
	s6 =	simm.s32 $0x108;
	_ =	swait.ge @!p0 [sflag:s8], $0x0  }
0x24: {  	s3 =	sadd.s32 $0x88, s3;
	s6 =	simm.s32 @!p1 $0x1082;
	[sflag:s4] =	ssyncset.s32 $0xFFFFF086  }
0x25: {  	[simem:s6], [sflag:s4] =	dma.local [hbm:s3], $0xF7A  }
0x26: {  	[smem:$0x3F9C] =	sst s1;
	(tag) =	ssettag s2;
	_ =	strace s9  }
0x27: {  	s1 =	sld [smem:$0x3FAC]  }
0x28: {  	s2 =	sld [smem:$0x3FAD]  }
0x29: {  	s4 =	sld [smem:$0x3FAF]  }
0x2a: {  	p0 =	seq.s32 s5, $0x0;
	s5 =	sld [smem:$0x3FB0]  }
0x2b: {  	s6 =	sld [smem:$0x3FB1]  }
0x2c: {  	s7 =	sld [smem:$0x3FB2]  }
0x2d: {  	s3 =	simm.s32 $0x108;
	s8 =	sld [smem:$0x3FB3]  }
0x2e: {  	s3 =	simm.s32 @!p0 $0x1082;
	s9 =	sld [smem:$0x3FB4]  }
0x2f: {  	lr =	sadd.s32 s0, s3;
	s0 =	sld [smem:$0x3FAB]  }
0x30: {  	s3 =	sld [smem:$0x3FAE]  }
0x31: {  	[smem:$0x3FB7] =	sst s10  }
0x32: {  	s10 =	sld [smem:$0x3FB5];
	_ =	sdelay $0x3  }
0x33: {  	p0 =	seq.s32 s10, $0x1;
	s10 =	sld [smem:$0x3FB7];
	_ =	sdelay $0x3  }
0x34: {  	[smem:$0x3FB7] =	sst s10  }
0x35: {  	s10 =	sld [smem:$0x3FB6];
	_ =	sdelay $0x3  }
0x36: {  	p1 =	seq.s32 s10, $0x1;
	s10 =	sld [smem:$0x3FB7];
	_ =	sdelay $0x3  }
0x37: {  	[smem:$0x3FB7] =	sst s10  }
0x38: {  	s10 =	sld [smem:$0x3FB8]  }
0x39: {  	_ = 	snop;
	(pc) =	sbr.ind lr, $3  }
0x3a: {  	_ = 	snop  }
0x3b: {  	_ = 	snop  }
0x3c: {  	p2 =	seq.s32 s10, $0x1;
	s10 =	sld [smem:$0x3FB7]  }
0x3d: {  	_ =	shalt  }
0x3e: {  	_ =	shalt  }
0x3f: {  	_ =	shalt  }
0x40: {  	_ =	shalt  }
0x41: {  	_ =	shalt  }
0x42: {  	_ =	shalt  }
0x43: {  	_ =	shalt  }
0x44: {  	_ =	shalt  }
0x45: {  	_ =	shalt  }
0x46: {  	_ =	shalt  }
0x47: {  	_ =	shalt  }
0x48: {  	_ =	shalt  }
0x49: {  	_ =	shalt  }
0x4a: {  	_ =	shalt  }
0x4b: {  	_ =	shalt  }
0x4c: {  	_ =	shalt  }
0x4d: {  	_ =	shalt  }
0x4e: {  	_ =	shalt  }
0x4f: {  	_ =	shalt  }
0x50: {  	_ =	shalt  }
0x51: {  	_ =	shalt  }
0x52: {  	_ =	shalt  }
0x53: {  	_ =	shalt  }
0x54: {  	_ =	shalt  }
0x55: {  	_ =	shalt  }
0x56: {  	_ =	shalt  }
0x57: {  	_ =	shalt  }
0x58: {  	_ =	shalt  }
0x59: {  	_ =	shalt  }
0x5a: {  	_ =	shalt  }
0x5b: {  	_ =	shalt  }
0x5c: {  	_ =	shalt  }
0x5d: {  	_ =	shalt  }
0x5e: {  	_ =	shalt  }
0x5f: {  	_ =	shalt  }
0x60: {  	_ =	shalt  }
0x61: {  	_ =	shalt  }
0x62: {  	_ =	shalt  }
0x63: {  	_ =	shalt  }
0x64: {  	_ =	shalt  }
0x65: {  	_ =	shalt  }
0x66: {  	_ =	shalt  }
0x67: {  	_ =	shalt  }
0x68: {  	_ =	shalt  }
0x69: {  	_ =	shalt  }
0x6a: {  	_ =	shalt  }
0x6b: {  	_ =	shalt  }
0x6c: {  	_ =	shalt  }
0x6d: {  	_ =	shalt  }
0x6e: {  	_ =	shalt  }
0x6f: {  	_ =	shalt  }
0x70: {  	_ =	shalt  }
0x71: {  	_ =	shalt  }
0x72: {  	_ =	shalt  }
0x73: {  	_ =	shalt  }
0x74: {  	_ =	shalt  }
0x75: {  	_ =	shalt  }
0x76: {  	_ =	shalt  }
0x77: {  	_ =	shalt  }
0x78: {  	_ =	shalt  }
0x79: {  	_ =	shalt  }
0x7a: {  	_ =	shalt  }
0x7b: {  	_ =	shalt  }
0x7c: {  	_ =	shalt  }
0x7d: {  	_ =	shalt  }
0x7e: {  	_ =	shalt  }
0x7f: {  	_ =	shalt  }
0x80: {  	_ =	shalt  }
0x81: {  	_ =	shalt  }
0x82: {  	_ =	shalt  }
0x83: {  	_ =	shalt  }
0x84: {  	_ =	shalt  }
0x85: {  	_ =	shalt  }
0x86: {  	_ =	shalt  }
0x87: {  	_ =	shalt  }
.Lfunc_end0:
.L_simem_size_0:
called_computation.1_lowered:
.L_overlay_start_0:
0x88: {  	s2 =	sld [smem:$0x3FD9]  }
0x89: {  	s3 =	sld [smem:$0x3FFE];
	_ =	sdelay $0x1  }
0x8a: {  	s1 =	srdreg.scid  }
0x8b: {  	s0 =	sand.u32 $0x1, s1  }
0x8c: {  	s17 =	sshll.u32 s0, $0xA;
	s2 =	sadd.s32 s3, s2  }
0x8d: {  	s2 =	sadd.s32 s2, s17  }
0x8e: {  	[smem:$0x3FC3] =	sst s2  }
0x8f: {  	_ = 	snop  }
0x90: {  	s2 =	sld [smem:$0x3FD0];
	(tm) =	ssettm $0x1  }
0x91: {  	s18 =	sld [smem:$0x3FFB];
	_ =	sdelay $0x3  }
0x92: {  	_ =	strace s18  }
0x93: {  	s3 =	sld [smem:$0x3FFC];
	_ =	sdelay $0x3  }
0x94: {  	_ =	strace s3  }
0x95: {  	s3 =	sld [smem:$0x3FFD];
	_ =	sdelay $0x3  }
0x96: {  	_ =	strace s3  }
0x97: {  	_ =	strace $0x8FFFFFFF  }
0x98: {  	s19 =	sld [smem:$0x3FDB];
	_ =	sdelay $0x1  }
0x99: {  	s4 =	simm.s32 $_scs_section_size  }
0x9a: {  	s5 =	simm.s32 $_size__tile_overlayer_lowered;
	s6 =	simm.s32 $_tile_overlayer_lowered  }
0x9b: {  	s22 =	simm.s32 $0x1BFF;
	s21 =	sshll.u32 s6, $0x1;
	s3 =	sadd.s32 s4, s19  }
0x9c: {  	s7 =	simm.s32 $0x0;
	s20 =	sshll.u32 s5, $0x1;
	s5 =	sadd.s32 s21, s3  }
0x9d: {  	[timem:s7], [sflag:s22] =	dma.local [hbm:s5], s20  }
0x9e: {  	_ =	swait.ge [sflag:s22], s20  }
0x9f: {  	s4 =	ssub.s32 $0x0, s20;
	[sflag:s22] =	ssyncset.done $0x0  }
0xa0: {  	[sflag:s22] =	ssyncadd.s32 s4;
	_ =	sdelay $0x1  }
0xa1: {  	s23 =	simm.s32 $0x1B8B  }
0xa2: {  	_ =	swait.ge [sflag:s23], $0x1  }
0xa3: {  	[sflag:s23] =	ssyncset.done $0x0  }
0xa4: {  	s25 =	simm.s32 $0x1B8E;
	s24 =	sld [smem:$0x3FFE];
	[sflag:s23] =	ssyncadd.s32 $0xFFFFFFFF  }
0xa5: {  	s26 =	simm.s32 $execute0_lowered;
	[smem:$0x3FD2] =	sst s25  }
0xa6: {  	s5 =	sshll.u32 s26, $0x1;
	_ =	strace $0x80000049;
	[dreg:$0x1] =	wrdreg $0xFFFFFFFF  }
0xa7: {  	s28 =	simm.s32 $_size_execute0_lowered;
	s3 =	sadd.s32 s3, s5;
	[dreg:$0x0] =	wrdreg $0x0  }
0xa8: {  	s5 =	sshll.u32 s28, $0x1;
	[dreg:$0x2] =	wrdreg s3  }
0xa9: {  	[dreg:$0x3] =	wrdreg s5  }
0xaa: {  	[dreg:$0x4] =	wrdreg $0xC0  }
0xab: {  	_ =	task [dreg:s7], $0x5FFFF  }
0xac: {  	[dreg:$0x1] =	wrdreg $0xFFFFFFFF  }
0xad: {  	[dreg:$0x0] =	wrdreg $0x60  }
0xae: {  	[dreg:$0x2] =	wrdreg s24  }
0xaf: {  	[dreg:$0x3] =	wrdreg s2  }
0xb0: {  	[dreg:$0x4] =	wrdreg $0xA8000  }
0xb1: {  	[dreg:$0x5] =	wrdreg $0x9  }
0xb2: {  	_ =	task.clear_ibuf [dreg:s7], $0x6FFFF;
	_ =	strace $0x90000049  }
0xb3: {  	s29 =	simm.s32 $0x9;
	_ =	strace $0x8000004B  }
0xb4: {  	_ =	swait.ge [sflag:s29], $0x1  }
0xb5: {  	[sflag:s29] =	ssyncadd.s32 $0xFFFFFFFF  }
0xb6: {  	_ =	strace $0x9000004B  }
0xb7: {  	_ =	sfence  }
0xb8: {  	s30 =	sld [smem:$0x0];
	_ =	sdelay $0x2  }
0xb9: {  	s31 =	sshll.u32 s1, $0xD;
	s1 =	sshrl.u32 s1, $0x2  }
0xba: {  	s3 =	sand.u32 $0x4000, s31;
	s1 =	sadd.s32 s1, s30  }
0xbb: {  	s0 =	sor.u32 s3, s0;
	s1 =	sshll.u32 s1, $0x11  }
0xbc: {  	s0 =	sor.u32 s1, s0  }
0xbd: {  	s0 =	sadd.s32 $0x8F2B, s0  }
0xbe: {  	[sflag:s0] =	ssyncadd.remote.s32 $0x1  }
0xbf: {  	_ =	sfence.sel $0xFFFF  }
0xc0: {  	[dreg:$0x0] =	wrdreg $0xFFFFFFFF;
	(pc) =	sbr.abs _section_cstart, $3  }
0xc1: {  	[dreg:$0x1] =	wrdreg $0xFFFFFFFF  }
0xc2: {  	_ =	task.clear_ibuf [dreg:s7], $0x2FFFF;
	_ =	strace $0x9FFFFFFF  }
0xc3: {  	(tm) =	ssettm $0x7FFFFFFF  }
tec
execute0_lowered:
.L_overlay_start_1:
0x0: {  	(tag) =	ssettag $0x1  }
0x1: {  	s8 =	rddreg [dreg:$0x0]  }
0x2: {  	s2 =	rddreg [dreg:$0x1];
	s0 =	srdreg.scid  }
0x3: {  	s3 =	rddreg [dreg:$0x2];
	s1 =	stileid.u32  }
0x4: {  	s4 =	simm.s32 $0x0;
	s15 =	simm.s32 $0x80;
	s16 =	simm.s32 $0x2800  }
0x5: {  	s17 =	simm.s32 $0x6800;
	s18 =	simm.s32 $0x1;
	s19 =	simm.s32 $0x2  }
0x6: {  	s20 =	sand.u32 $0x1, s0;
	s0 =	rddreg [dreg:$0x3];
	s7 =	smul.u32 $0x14000, s1  }
0x7: {  	s21 =	simm.s32 $0x2780;
	[smem:$0x7FF] =	sst s4;
	s10 =	smul.u32 $0x50000, s1  }
0x8: {  	s5 =	sadd.s32 $0xB800, s8;
	s12 =	smul.u32 $0x28, s1;
	s31 =	sshll.u32 s1, $0x6  }
0x9: {  	s6 =	smul.u32 $0x140000, s20;
	_ =	strace $0x8000004A;
	s29 =	ssub.s32 $0x2, s20  }
0xa: {  	p0 =	seq.s32 s20, $0x0;
	s30 =	sshrl.u32 s29, $0x1;
	s10 =	sshrl.u32 s10, $0x2  }
0xb: {  	s7 =	sadd.s32 s7, s6;
	s6 =	sadd.s32 $0x1800, s8;
	s13 =	ssub.s32 s29, s30  }
0xc: {  	s14 =	sadd.s32 s10, s3;
	s10 =	smul.u32 $0x78, s1;
	s9 =	sshrl.u32 s7, $0x3  }
0xd: {  	s7 =	sadd.s32 $0x33800, s8;
	s11 =	sadd.s32 s9, s8;
	s8 =	sadd.s32 $0x780, s12  }
0xe: {  	s9 =	sor.u32 $0x1C03, s31;
	s12 =	sshrl.u32 s14, $0x3;
	s14 =	simm.s32 $0x1400  }
0xf: {  	s8 =	smov.u32 @p0 s10;
	s10 =	sadd.s32 $0x36000, s11;
	s11 =	smax.u32 s13, $0x1  }
0x10: {  	s13 =	simm.s32 $0x3;
	p0 =	sne.s32 s20, $0x0;
	s20 =	simm.s32 $0x2700  }
.LBB2_1:
0x11: {  	[spmem:s12], [sflag:s9] =	dma.local [hbm:s7], $0x2800  }
0x12: {  	_ =	swait.ge [sflag:s13], $0x2800  }
0x13: {  	[sflag:s13] =	ssyncset.done $0x0  }
0x14: {  	[sflag:s13] =	ssyncadd.s32 $0xFFFFD800  }
0x15: {  	s22 =	simm.s32 $0x0;
	[bflag:$0x0] =	sbarrier.arrive $0xFFFF  }
.LBB2_2:
0x16: {  	s23 =	smul.u32 $0x28, s22;
	_ =	sdelay $0x1  }
0x17: {  	s23 =	sadd.s32 s8, s23  }
0x18: {  	s23 =	sshll.u32 s23, $0x4  }
0x19: {  	s25 =	simm.s32 $0x0;
	s24 =	sadd.s32 s2, s23  }
0x1a: {  	[tilespmem:s25], [sflag:$0x3] =	stream.linear.gather [hbm4b:s24+s25], $0x1400, $0x38;
	[tilespmem:$0x1E800] =	vst v63  }
0x1b: {  	_ =	swait.ge [sflag:s13], $0x1400  }
0x1c: {  	[sflag:s13] =	ssyncset.done $0x0  }
0x1d: {  	s23 =	sadd.s32 s6, s23;
	[sflag:s13] =	ssyncadd.s32 $0xFFFFEC00  }
0x1e: {  	[tilespmem:s14], [sflag:$0x3] =	stream.linear.gather [hbm4b:s23+s25], $0x1400, $0x38;
	[tilespmem:$0x1E800] =	vst v63  }
0x1f: {  	_ =	swait.ge [sflag:s13], $0x1400  }
0x20: {  	[sflag:s13] =	ssyncset.done $0x0  }
0x21: {  	[sflag:s13] =	ssyncadd.s32 $0xFFFFEC00  }
0x22: {  	[tilespmem:s16], [sflag:$0x1] =	stream.indirect.gather [hbm4b:s5+s15], $0x80, s25, s15, $0xb8;
	[tilespmem:$0x1E800] =	vst v63  }
0x23: {  	_ = 	snop  }
0x24: {  	[tilespmem:s17], [sflag:$0x2] =	stream.indirect.gather [hbm4b:s5+s15], $0x80, s15, s15, $0xb8;
	[tilespmem:$0x1E800] =	vst v63  }
0x25: {  	_ =	swait.ge [sflag:s18], $0x4000  }
0x26: {  	[sflag:s18] =	ssyncset.done $0x0  }
0x27: {  	s29 =	simm.s32 $0x1400;
	[sflag:s18] =	ssyncadd.s32 $0xFFFFC000  }
0x28: {  	[spmem:s3] =	stream.indirect.scatter.add.f32 [tilespmem:s16], [sflag:$0x3], $0x80, s29, s15, $0xb8;
	[tilespmem:$0x1E800] =	vst v63  }
0x29: {  	_ =	swait.ge [sflag:s13], $0x4000  }
0x2a: {  	[sflag:s13] =	ssyncset.done $0x0  }
0x2b: {  	s30 =	simm.s32 $0x100;
	[sflag:s13] =	ssyncadd.s32 $0xFFFFC000  }
0x2c: {  	[tilespmem:s16], [sflag:$0x1] =	stream.indirect.gather [hbm4b:s5+s15], $0x80, s30, s15, $0xb8;
	[tilespmem:$0x1E800] =	vst v63  }
0x2d: {  	_ =	swait.ge [sflag:s19], $0x4000  }
0x2e: {  	[sflag:s19] =	ssyncset.done $0x0  }
0x2f: {  	s31 =	simm.s32 $0x1480;
	[sflag:s19] =	ssyncadd.s32 $0xFFFFC000  }
0x30: {  	[spmem:s3] =	stream.indirect.scatter.add.f32 [tilespmem:s17], [sflag:$0x3], $0x80, s31, s15, $0xb8;
	[tilespmem:$0x1E800] =	vst v63  }
0x31: {  	_ =	swait.ge [sflag:s13], $0x4000  }
0x32: {  	[sflag:s13] =	ssyncset.done $0x0  }
0x33: {  	s24 =	simm.s32 $0x180;
	s23 =	simm.s32 $0x400;
	[sflag:s13] =	ssyncadd.s32 $0xFFFFC000  }
.LBB2_3:
0x34: {  	[tilespmem:s17], [sflag:$0x2] =	stream.indirect.gather [hbm4b:s5+s15], $0x80, s24, s15, $0xb8;
	[tilespmem:$0x1E800] =	vst v63  }
0x35: {  	s24 =	smov.u32 s23  }
0x36: {  	p1 =	sne.s32 s23, $0x4800;
	s23 =	sadd.s32 $0x400, s23;
	_ =	swait.ge [sflag:s18], $0x4000  }
0x37: {  	s24 =	sshra.s32 s24, $0x2;
	[sflag:s18] =	ssyncset.done $0x0  }
0x38: {  	s25 =	sadd.s32 $0x1400, s24;
	[sflag:s18] =	ssyncadd.s32 $0xFFFFC000  }
0x39: {  	[spmem:s3] =	stream.indirect.scatter.add.f32 [tilespmem:s16], [sflag:$0x3], $0x80, s25, s15, $0xb8;
	[tilespmem:$0x1E800] =	vst v63  }
0x3a: {  	_ =	swait.ge [sflag:s13], $0x4000  }
0x3b: {  	[sflag:s13] =	ssyncset.done $0x0  }
0x3c: {  	s25 =	sadd.s32 $0x100, s24;
	[sflag:s13] =	ssyncadd.s32 $0xFFFFC000  }
0x3d: {  	[tilespmem:s16], [sflag:$0x1] =	stream.indirect.gather [hbm4b:s5+s15], $0x80, s25, s15, $0xb8;
	[tilespmem:$0x1E800] =	vst v63  }
0x3e: {  	_ =	swait.ge [sflag:s19], $0x4000  }
0x3f: {  	[sflag:s19] =	ssyncset.done $0x0  }
.Ltmp0:
0x40: {  	s25 =	sadd.s32 $0x1480, s24;
	[sflag:s19] =	ssyncadd.s32 $0xFFFFC000;
	(pc) =	sbr.rel @p1 .LBB2_3-.Ltmp0, $4  }
0x41: {  	[spmem:s3] =	stream.indirect.scatter.add.f32 [tilespmem:s17], [sflag:$0x3], $0x80, s25, s15, $0xb8;
	[tilespmem:$0x1E800] =	vst v63  }
0x42: {  	_ =	swait.ge [sflag:s13], $0x4000  }
0x43: {  	[sflag:s13] =	ssyncset.done $0x0  }
0x44: {  	s24 =	sadd.s32 $0x180, s24;
	[sflag:s13] =	ssyncadd.s32 $0xFFFFC000  }
0x45: {  	[tilespmem:s17], [sflag:$0x2] =	stream.indirect.gather [hbm4b:s5+s15], $0x80, s24, s15, $0xb8;
	[tilespmem:$0x1E800] =	vst v63  }
0x46: {  	_ =	swait.ge [sflag:s18], $0x4000  }
0x47: {  	[sflag:s18] =	ssyncset.done $0x0  }
0x48: {  	[sflag:s18] =	ssyncadd.s32 $0xFFFFC000  }
0x49: {  	[spmem:s3] =	stream.indirect.scatter.add.f32 [tilespmem:s16], [sflag:$0x3], $0x80, s20, s15, $0xb8;
	[tilespmem:$0x1E800] =	vst v63  }
0x4a: {  	_ =	swait.ge [sflag:s13], $0x4000  }
0x4b: {  	[sflag:s13] =	ssyncset.done $0x0  }
0x4c: {  	[sflag:s13] =	ssyncadd.s32 $0xFFFFC000  }
0x4d: {  	p1 =	slt.u32 @!p0 s22, $0x2;
	_ =	swait.ge [sflag:s19], $0x4000  }
0x4e: {  	p1 =	por p0, !p1;
	[sflag:s19] =	ssyncset.done $0x0  }
.Ltmp1:
0x4f: {  	[sflag:s19] =	ssyncadd.s32 $0xFFFFC000;
	(pc) =	sbr.rel @!p1 .LBB2_2-.Ltmp1, $4  }
0x50: {  	[spmem:s3] =	stream.indirect.scatter.add.f32 [tilespmem:s17], [sflag:$0x3], $0x80, s21, s15, $0xb8;
	[tilespmem:$0x1E800] =	vst v63  }
0x51: {  	_ =	swait.ge [sflag:s13], $0x4000  }
0x52: {  	[sflag:s13] =	ssyncset.done $0x0  }
0x53: {  	s22 =	sadd.s32 $0x1, s22;
	[sflag:s13] =	ssyncadd.s32 $0xFFFFC000  }
0x54: {  	s4 =	sadd.s32 $0x1, s4  }
0x55: {  	p1 =	sne.s32 s4, s11  }
.Ltmp2:
0x56: {  	[bflag:$0x0] =	sbarrier.arrive $0xFFFF;
	(pc) =	sbr.rel @p1 .LBB2_1-.Ltmp2, $4  }
0x57: {  	[hbm:s10], [sflag:s9] =	dma.local [spmem:s12], $0x2800  }
0x58: {  	_ =	swait.ge [sflag:s13], $0x2800  }
0x59: {  	[sflag:s13] =	ssyncset.done $0x0  }
0x5a: {  	[sflag:s13] =	ssyncadd.s32 $0xFFFFD800  }
0x5b: {  	_ =	sfence.sel $0x180000  }
0x5c: {  	[bflag:$0x0] =	sbarrier.arrive $0xFFFF  }
0x5d: {  	p0 =	sne.s32 s1, $0x0;
	_ =	strace $0x9000004A  }
0x5e: {  	s0 =	sadd.s32 @!p0 $0x100000, s0;
	[bflag:$0x2] =	sbarrier.arrive $0xFFFF  }
0x5f: {  	[sflag:s0] =	ssyncadd.tile.s32 @!p0 $0x1;
	_ =	shalt  }
.Lfunc_end2:
_tile_overlayer_lowered:
.L_overlay_start_2:
0x60: {  	(tag) =	ssettag $0x2  }
0x61: {  	s0 =	rddreg [dreg:$0x0];
	s2 =	stileid.u32  }
0x62: {  	s1 =	rddreg [dreg:$0x1];
	p0 =	sne.s32 s2, $0x0  }
0x63: {  	s3 =	rddreg [dreg:$0x2];
	[bflag:$0x3] =	sbarrier.arrive $0xFFFF;
	s2 =	simm.s32 @!p0 $0x1C03  }
0x64: {  	[timem:s3], [sflag:s2] =	dma.local @!p0 [hbm:s0], s1  }
0x65: {  	s0 =	simm.s32 @!p0 $0x3  }
0x66: {  	_ =	swait.ge @!p0 [sflag:s0], s1  }
0x67: {  	s1 =	ssub.s32 @!p0 $0x0, s1;
	[sflag:s0] =	ssyncset.done @!p0 $0x0  }
0x68: {  	[sflag:s0] =	ssyncadd.s32 @!p0 s1  }
0x69: {  	[bflag:$0x3] =	sbarrier.arrive $0xFFFF  }
0x6a: {  	_ =	shalt  }

</sc_bundles>
